<compile_context>
chip_gen: v7x
topology: tpu7x:2x2x1
jax: 0.10.2.dev20260603
libtpu: 0.0.44.dev20260713+nightly
codegen_flags: <defaults>
</compile_context>

<pallas_src>
import functools

import jax
import jax.numpy as jnp
from jax import lax
from jax.experimental import pallas as pl
from jax.experimental.pallas import tpu as pltpu
from jax.experimental.pallas import tpu_sc as plsc

NC = 2
NS = 16
CHUNK = 128
BT = 1024


def _sc_mesh():
    return plsc.VectorSubcoreMesh(core_axis_name="c", subcore_axis_name="s")


def _deg_partials(dst4, zd, n_pad, nchunk):
    rpt = n_pad // NS

    @functools.partial(
        pl.kernel,
        out_type=jax.ShapeDtypeStruct((NC, n_pad), jnp.float32),
        mesh=_sc_mesh(),
        scratch_types=[
            pltpu.VMEM((nchunk, CHUNK), jnp.int32),
            pltpu.VMEM((CHUNK,), jnp.float32),
            pltpu.VMEM_SHARED((n_pad,), jnp.float32),
        ],
    )
    def k(dst_hbm, zd_hbm, degp_hbm, dstv, ones_v, deg_sh):
        c = lax.axis_index("c")
        s = lax.axis_index("s")
        for i in range(CHUNK // 16):
            ones_v[pl.ds(i * 16, 16)] = jnp.full((16,), 1.0, jnp.float32)
        pltpu.sync_copy(dst_hbm.at[c, s], dstv)
        pltpu.sync_copy(zd_hbm, deg_sh.at[pl.ds(s * rpt, rpt)])
        plsc.subcore_barrier()

        def body(j, carry):
            pltpu.sync_copy(ones_v, deg_sh.at[dstv.at[j]], add=True)
            return carry

        lax.fori_loop(0, nchunk, body, 0)
        plsc.subcore_barrier()
        pltpu.sync_copy(deg_sh.at[pl.ds(s * rpt, rpt)],
                        degp_hbm.at[c, pl.ds(s * rpt, rpt)])

    return k(dst4, zd)


def _matmul(x_p, w, n_pad):
    d_in, d_out = w.shape

    def body(x_ref, w_ref, h_ref):
        h_ref[...] = jnp.dot(x_ref[...], w_ref[...],
                             preferred_element_type=jnp.float32)

    return pl.pallas_call(
        body,
        grid=(n_pad // BT,),
        in_specs=[
            pl.BlockSpec((BT, d_in), lambda i: (i, 0)),
            pl.BlockSpec((d_in, d_out), lambda i: (0, 0)),
        ],
        out_specs=pl.BlockSpec((BT, d_out), lambda i: (i, 0)),
        out_shape=jax.ShapeDtypeStruct((n_pad, d_out), jnp.float32),
    )(x_p, w)


def _scale(h, degp3, n_pad):
    d_out = h.shape[1]

    def body(h_ref, deg_ref, g_ref):
        deg = deg_ref[0] + deg_ref[1] + 1.0
        g_ref[...] = h_ref[...] * lax.rsqrt(deg)

    return pl.pallas_call(
        body,
        grid=(n_pad // BT,),
        in_specs=[
            pl.BlockSpec((BT, d_out), lambda i: (i, 0)),
            pl.BlockSpec((NC, BT, 1), lambda i: (0, i, 0)),
        ],
        out_specs=pl.BlockSpec((BT, d_out), lambda i: (i, 0)),
        out_shape=jax.ShapeDtypeStruct((n_pad, d_out), jnp.float32),
    )(h, degp3)


def _gather_scatter(src4, dst4, g, z, n_pad, nchunk):
    d = g.shape[1]
    rpt = n_pad // NS

    @functools.partial(
        pl.kernel,
        out_type=jax.ShapeDtypeStruct((NC, n_pad, d), jnp.float32),
        mesh=_sc_mesh(),
        scratch_types=[
            pltpu.VMEM((nchunk, CHUNK), jnp.int32),
            pltpu.VMEM((nchunk, CHUNK), jnp.int32),
            pltpu.VMEM((CHUNK, d), jnp.float32),
            pltpu.VMEM_SHARED((n_pad, d), jnp.float32),
        ],
    )
    def k(src_hbm, dst_hbm, g_hbm, z_hbm, acc_hbm,
          srcv, dstv, rows, acc_sh):
        c = lax.axis_index("c")
        s = lax.axis_index("s")
        pltpu.sync_copy(src_hbm.at[c, s], srcv)
        pltpu.sync_copy(dst_hbm.at[c, s], dstv)
        pltpu.sync_copy(z_hbm, acc_sh.at[pl.ds(s * rpt, rpt)])
        plsc.subcore_barrier()

        def body(j, carry):
            pltpu.sync_copy(g_hbm.at[srcv.at[j]], rows)
            pltpu.sync_copy(rows, acc_sh.at[dstv.at[j]], add=True)
            return carry

        lax.fori_loop(0, nchunk, body, 0)
        plsc.subcore_barrier()
        pltpu.sync_copy(acc_sh.at[pl.ds(s * rpt, rpt)],
                        acc_hbm.at[c, pl.ds(s * rpt, rpt)])

    return k(src4, dst4, g, z)


def _finalize(acc, g, degp3, b2, n_pad):
    d_out = g.shape[1]

    def body(acc_ref, g_ref, deg_ref, b_ref, out_ref):
        deg = deg_ref[0] + deg_ref[1] + 1.0
        dis = lax.rsqrt(deg)
        tot = acc_ref[0] + acc_ref[1] + g_ref[...]
        out_ref[...] = jnp.maximum(tot * dis + b_ref[...], 0.0)

    return pl.pallas_call(
        body,
        grid=(n_pad // BT,),
        in_specs=[
            pl.BlockSpec((NC, BT, d_out), lambda i: (0, i, 0)),
            pl.BlockSpec((BT, d_out), lambda i: (i, 0)),
            pl.BlockSpec((NC, BT, 1), lambda i: (0, i, 0)),
            pl.BlockSpec((1, d_out), lambda i: (0, 0)),
        ],
        out_specs=pl.BlockSpec((BT, d_out), lambda i: (i, 0)),
        out_shape=jax.ShapeDtypeStruct((n_pad, d_out), jnp.float32),
    )(acc, g, degp3, b2)


def kernel(x, edge_index_1hop, W, b):
    n, d_in = x.shape
    d_out = W.shape[1]
    e = edge_index_1hop.shape[1]

    n_pad = ((n + BT - 1) // BT) * BT
    ec = NC * NS * CHUNK * 4
    e_pad = ((e + ec - 1) // ec) * ec
    nchunk = e_pad // (NC * NS * CHUNK)
    rpt = n_pad // NS

    src = edge_index_1hop[0]
    dst = edge_index_1hop[1]
    pad_e = e_pad - e
    src_p = jnp.concatenate([src, jnp.zeros((pad_e,), jnp.int32)])
    dst_p = jnp.concatenate([dst, jnp.full((pad_e,), n, jnp.int32)])
    src4 = src_p.reshape(NC, NS, nchunk, CHUNK)
    dst4 = dst_p.reshape(NC, NS, nchunk, CHUNK)

    x_p = jnp.pad(x, ((0, n_pad - n), (0, 0)))
    zd = jnp.zeros((rpt,), jnp.float32)
    z = jnp.zeros((rpt, d_out), jnp.float32)

    degp = _deg_partials(dst4, zd, n_pad, nchunk)
    degp3 = degp[:, :, None]
    h = _matmul(x_p, W, n_pad)
    g = _scale(h, degp3, n_pad)
    acc = _gather_scatter(src4, dst4, g, z, n_pad, nchunk)
    out = _finalize(acc, g, degp3, b.reshape(1, d_out), n_pad)
    return out[:n]

# --- scband reference (transcript-rebuilt; emitter-appended) ---
"""Pipeline reference for scband-edge-layer-82824149336364 (READ-ONLY COPY).

The authoritative reference and input builder live on the scoring server;
editing this copy changes nothing except your own understanding.
"""

import jax, jax.numpy as jnp
import numpy as np

N = 10000
E = 320000
D_IN = 128
D_OUT = 128


def setup_inputs(seed: int = 0) -> dict:
    key = jax.random.key(seed)
    k1, k2, k3 = jax.random.split(key, 3)
    x = jax.random.normal(k1, (N, D_IN), dtype=jnp.float32)
    edge_index_1hop = jax.random.randint(k2, (2, E), 0, N, dtype=jnp.int32)
    # GCNConv params: linear weight (no bias on lin), separate bias param
    W = jax.random.normal(k3, (D_IN, D_OUT), dtype=jnp.float32) * (1.0 / np.sqrt(D_IN))
    b = jnp.zeros((D_OUT,), dtype=jnp.float32)
    return {"x": x, "edge_index_1hop": edge_index_1hop, "W": W, "b": b}


def reference(x, edge_index_1hop, W, b):
    # GCNConv: add self-loops, symmetric normalization D^{-1/2} A D^{-1/2},
    # linear transform, scatter-add aggregation at dst, add bias; then ReLU.
    n = x.shape[0]
    loop = jnp.arange(n, dtype=edge_index_1hop.dtype)
    src = jnp.concatenate([edge_index_1hop[0], loop])
    dst = jnp.concatenate([edge_index_1hop[1], loop])
    h = x @ W
    deg = jnp.zeros((n,), dtype=h.dtype).at[dst].add(1.0)
    deg_inv_sqrt = jnp.where(deg > 0, 1.0 / jnp.sqrt(deg), 0.0)
    norm = deg_inv_sqrt[src] * deg_inv_sqrt[dst]
    msg = h[src] * norm[:, None]
    out = jnp.zeros((n, h.shape[1]), dtype=h.dtype).at[dst].add(msg)
    out = out + b
    return jax.nn.relu(out)

if __name__ == "__main__":
    import jax
    _d = setup_inputs()
    print(jax.jit(kernel)(*tuple(_d.values())))

</pallas_src>

<mosaic_0001>
#map = affine_map<(d0, d1) -> (0, 0, 0, 0)>
#map1 = affine_map<(d0, d1) -> (0, 0)>
#map2 = affine_map<(d0, d1) -> (0, 0, 0)>
module attributes {stable_mosaic.version = 14 : i64} {
  func.func @k(%arg0: i32, %arg1: i32, %arg2: memref<2x16x80x128xi32, #tpu.memory_space<hbm>>, %arg3: memref<2x16x80x128xi32, #tpu.memory_space<hbm>>, %arg4: memref<10240x128xf32, #tpu.memory_space<hbm>>, %arg5: memref<640x128xf32, #tpu.memory_space<hbm>>, %arg6: memref<2x10240x128xf32, #tpu.memory_space<hbm>>, %arg7: memref<80x128xi32, #tpu.memory_space<vmem>>, %arg8: memref<80x128xi32, #tpu.memory_space<vmem>>, %arg9: memref<128x128xf32, #tpu.memory_space<vmem>>, %arg10: memref<10240x128xf32, #tpu.memory_space<vmem_shared>>) attributes {dimension_semantics = [#tpu.dimension_semantics<core_parallel>, #tpu.dimension_semantics<subcore_parallel>], iteration_bounds = array<i64: 2, 16>, scalar_prefetch = 0 : i64, scratch_operands = 4 : i64, tpu.core_type = #tpu.core_type<sc_vector_subcore>, window_params = [{transform_indices = #map}, {transform_indices = #map}, {transform_indices = #map1}, {transform_indices = #map1}, {transform_indices = #map2}]} {
    "tpu.region"() ({
      %run_scoped3A = tpu.sem_alloc : memref<!tpu.dma_semaphore, #tpu.memory_space<semaphore_mem>>
      %dma_start3A = arith.constant 0 : i32
      %dma_start3A_11 = arith.constant 0 : i32
      %dma_start3A_12 = tpu.memref_slice %arg2[%arg0, %arg1, %dma_start3A, %dma_start3A_11] : memref<2x16x80x128xi32, #tpu.memory_space<hbm>> -> memref<1x1x80x128xi32, #tpu.memory_space<hbm>>
      %dma_start3A_13 = tpu.memref_squeeze %dma_start3A_12 : memref<1x1x80x128xi32, #tpu.memory_space<hbm>> -> memref<80x128xi32, #tpu.memory_space<hbm>>
      %dma_start3A_14 = arith.constant 0 : i32
      %dma_start3A_15 = arith.constant 0 : i32
      %dma_start3A_16 = tpu.memref_slice %arg2[%arg0, %arg1, %dma_start3A_14, %dma_start3A_15] : memref<2x16x80x128xi32, #tpu.memory_space<hbm>> -> memref<1x1x80x128xi32, #tpu.memory_space<hbm>>
      %dma_start3A_17 = tpu.memref_squeeze %dma_start3A_16 : memref<1x1x80x128xi32, #tpu.memory_space<hbm>> -> memref<80x128xi32, #tpu.memory_space<hbm>>
      tpu.enqueue_dma source(%dma_start3A_17 : memref<80x128xi32, #tpu.memory_space<hbm>>) target(%arg7 : memref<80x128xi32, #tpu.memory_space<vmem>>) target_semaphore(%run_scoped3A : memref<!tpu.dma_semaphore, #tpu.memory_space<semaphore_mem>>)
      %dma_wait3A = arith.constant 0 : i32
      %dma_wait3A_18 = arith.constant 0 : i32
      %dma_wait3A_19 = tpu.memref_slice %arg2[%arg0, %arg1, %dma_wait3A, %dma_wait3A_18] : memref<2x16x80x128xi32, #tpu.memory_space<hbm>> -> memref<1x1x80x128xi32, #tpu.memory_space<hbm>>
      %dma_wait3A_20 = tpu.memref_squeeze %dma_wait3A_19 : memref<1x1x80x128xi32, #tpu.memory_space<hbm>> -> memref<80x128xi32, #tpu.memory_space<hbm>>
      %dma_wait3A_21 = arith.constant 0 : i32
      %dma_wait3A_22 = arith.constant 0 : i32
      %dma_wait3A_23 = tpu.memref_slice %arg2[%arg0, %arg1, %dma_wait3A_21, %dma_wait3A_22] : memref<2x16x80x128xi32, #tpu.memory_space<hbm>> -> memref<1x1x80x128xi32, #tpu.memory_space<hbm>>
      %dma_wait3A_24 = tpu.memref_squeeze %dma_wait3A_23 : memref<1x1x80x128xi32, #tpu.memory_space<hbm>> -> memref<80x128xi32, #tpu.memory_space<hbm>>
      tpu.wait_dma2 semaphore(%run_scoped3A : memref<!tpu.dma_semaphore, #tpu.memory_space<semaphore_mem>>) src(%dma_wait3A_24 : memref<80x128xi32, #tpu.memory_space<hbm>>) dst(%arg7 : memref<80x128xi32, #tpu.memory_space<vmem>>)
      tpu.yield
    }) : () -> ()
    "tpu.region"() ({
      %run_scoped3A = tpu.sem_alloc : memref<!tpu.dma_semaphore, #tpu.memory_space<semaphore_mem>>
      %dma_start3A = arith.constant 0 : i32
      %dma_start3A_11 = arith.constant 0 : i32
      %dma_start3A_12 = tpu.memref_slice %arg3[%arg0, %arg1, %dma_start3A, %dma_start3A_11] : memref<2x16x80x128xi32, #tpu.memory_space<hbm>> -> memref<1x1x80x128xi32, #tpu.memory_space<hbm>>
      %dma_start3A_13 = tpu.memref_squeeze %dma_start3A_12 : memref<1x1x80x128xi32, #tpu.memory_space<hbm>> -> memref<80x128xi32, #tpu.memory_space<hbm>>
      %dma_start3A_14 = arith.constant 0 : i32
      %dma_start3A_15 = arith.constant 0 : i32
      %dma_start3A_16 = tpu.memref_slice %arg3[%arg0, %arg1, %dma_start3A_14, %dma_start3A_15] : memref<2x16x80x128xi32, #tpu.memory_space<hbm>> -> memref<1x1x80x128xi32, #tpu.memory_space<hbm>>
      %dma_start3A_17 = tpu.memref_squeeze %dma_start3A_16 : memref<1x1x80x128xi32, #tpu.memory_space<hbm>> -> memref<80x128xi32, #tpu.memory_space<hbm>>
      tpu.enqueue_dma source(%dma_start3A_17 : memref<80x128xi32, #tpu.memory_space<hbm>>) target(%arg8 : memref<80x128xi32, #tpu.memory_space<vmem>>) target_semaphore(%run_scoped3A : memref<!tpu.dma_semaphore, #tpu.memory_space<semaphore_mem>>)
      %dma_wait3A = arith.constant 0 : i32
      %dma_wait3A_18 = arith.constant 0 : i32
      %dma_wait3A_19 = tpu.memref_slice %arg3[%arg0, %arg1, %dma_wait3A, %dma_wait3A_18] : memref<2x16x80x128xi32, #tpu.memory_space<hbm>> -> memref<1x1x80x128xi32, #tpu.memory_space<hbm>>
      %dma_wait3A_20 = tpu.memref_squeeze %dma_wait3A_19 : memref<1x1x80x128xi32, #tpu.memory_space<hbm>> -> memref<80x128xi32, #tpu.memory_space<hbm>>
      %dma_wait3A_21 = arith.constant 0 : i32
      %dma_wait3A_22 = arith.constant 0 : i32
      %dma_wait3A_23 = tpu.memref_slice %arg3[%arg0, %arg1, %dma_wait3A_21, %dma_wait3A_22] : memref<2x16x80x128xi32, #tpu.memory_space<hbm>> -> memref<1x1x80x128xi32, #tpu.memory_space<hbm>>
      %dma_wait3A_24 = tpu.memref_squeeze %dma_wait3A_23 : memref<1x1x80x128xi32, #tpu.memory_space<hbm>> -> memref<80x128xi32, #tpu.memory_space<hbm>>
      tpu.wait_dma2 semaphore(%run_scoped3A : memref<!tpu.dma_semaphore, #tpu.memory_space<semaphore_mem>>) src(%dma_wait3A_24 : memref<80x128xi32, #tpu.memory_space<hbm>>) dst(%arg8 : memref<80x128xi32, #tpu.memory_space<vmem>>)
      tpu.yield
    }) : () -> ()
    %mul3A = arith.constant 640 : i32
    %mul3A_0 = arith.muli %arg1, %mul3A : i32
    "tpu.region"() ({
      %run_scoped3A = tpu.sem_alloc : memref<!tpu.dma_semaphore, #tpu.memory_space<semaphore_mem>>
      %dma_start3A = arith.constant 0 : i32
      %dma_start3A_11 = tpu.memref_slice %arg10[%mul3A_0, %dma_start3A] : memref<10240x128xf32, #tpu.memory_space<vmem_shared>> -> memref<640x128xf32, #tpu.memory_space<vmem_shared>>
      tpu.enqueue_dma source(%arg5 : memref<640x128xf32, #tpu.memory_space<hbm>>) target(%dma_start3A_11 : memref<640x128xf32, #tpu.memory_space<vmem_shared>>) target_semaphore(%run_scoped3A : memref<!tpu.dma_semaphore, #tpu.memory_space<semaphore_mem>>)
      %dma_wait3A = arith.constant 0 : i32
      %dma_wait3A_12 = tpu.memref_slice %arg10[%mul3A_0, %dma_wait3A] : memref<10240x128xf32, #tpu.memory_space<vmem_shared>> -> memref<640x128xf32, #tpu.memory_space<vmem_shared>>
      tpu.wait_dma2 semaphore(%run_scoped3A : memref<!tpu.dma_semaphore, #tpu.memory_space<semaphore_mem>>) src(%arg5 : memref<640x128xf32, #tpu.memory_space<hbm>>) dst(%dma_wait3A_12 : memref<640x128xf32, #tpu.memory_space<vmem_shared>>)
      tpu.yield
    }) : () -> ()
    %barrier3A = arith.constant 0 : index
    tpu.barrier barrier_id(%barrier3A)
    %scan3A = arith.constant 0 : i32
    %scan3A_1 = arith.constant 0 : i32
    %scan3A_2 = arith.constant 80 : i32
    %scan3A_3 = arith.addi %scan3A_1, %scan3A_2 : i32
    %scan3A_4 = arith.constant 1 : i32
    scf.for %scan3A_11 = %scan3A_1 to %scan3A_3 step %scan3A_4  : i32 {
      "tpu.region"() ({
        %run_scoped3A = tpu.sem_alloc : memref<!tpu.dma_semaphore, #tpu.memory_space<semaphore_mem>>
        %dma_start3A = arith.constant 0 : i32
        %dma_start3A_12 = tpu.memref_slice %arg7[%scan3A_11, %dma_start3A] : memref<80x128xi32, #tpu.memory_space<vmem>> -> memref<1x128xi32, #tpu.memory_space<vmem>>
        %dma_start3A_13 = tpu.memref_squeeze %dma_start3A_12 : memref<1x128xi32, #tpu.memory_space<vmem>> -> memref<128xi32, #tpu.memory_space<vmem>>
        %dma_start3A_14 = arith.constant 0 : i32
        %dma_start3A_15 = arith.constant 0 : i32
        %dma_start3A_16 = tpu.memref_slice %arg4[%dma_start3A_14, %dma_start3A_15] : memref<10240x128xf32, #tpu.memory_space<hbm>> -> memref<10240x128xf32, #tpu.memory_space<hbm>>
        tpu.enqueue_indirect_dma source(%dma_start3A_16 : memref<10240x128xf32, #tpu.memory_space<hbm>>) target(%arg9 : memref<128x128xf32, #tpu.memory_space<vmem>>) offsets(%dma_start3A_13 : memref<128xi32, #tpu.memory_space<vmem>>) semaphore(%run_scoped3A : memref<!tpu.dma_semaphore, #tpu.memory_space<semaphore_mem>>)
        %dma_wait3A = arith.constant 0 : i32
        %dma_wait3A_17 = tpu.memref_slice %arg7[%scan3A_11, %dma_wait3A] : memref<80x128xi32, #tpu.memory_space<vmem>> -> memref<1x128xi32, #tpu.memory_space<vmem>>
        %dma_wait3A_18 = tpu.memref_squeeze %dma_wait3A_17 : memref<1x128xi32, #tpu.memory_space<vmem>> -> memref<128xi32, #tpu.memory_space<vmem>>
        %dma_wait3A_19 = arith.constant 0 : i32
        %dma_wait3A_20 = arith.constant 0 : i32
        %dma_wait3A_21 = tpu.memref_slice %arg4[%dma_wait3A_19, %dma_wait3A_20] : memref<10240x128xf32, #tpu.memory_space<hbm>> -> memref<10240x128xf32, #tpu.memory_space<hbm>>
        tpu.wait_indirect_dma semaphore(%run_scoped3A : memref<!tpu.dma_semaphore, #tpu.memory_space<semaphore_mem>>) src(%dma_wait3A_21 : memref<10240x128xf32, #tpu.memory_space<hbm>>) dst(%arg9 : memref<128x128xf32, #tpu.memory_space<vmem>>)
        tpu.yield
      }) : () -> ()
      "tpu.region"() ({
        %run_scoped3A = tpu.sem_alloc : memref<!tpu.dma_semaphore, #tpu.memory_space<semaphore_mem>>
        %dma_start3A = arith.constant 0 : i32
        %dma_start3A_12 = tpu.memref_slice %arg8[%scan3A_11, %dma_start3A] : memref<80x128xi32, #tpu.memory_space<vmem>> -> memref<1x128xi32, #tpu.memory_space<vmem>>
        %dma_start3A_13 = tpu.memref_squeeze %dma_start3A_12 : memref<1x128xi32, #tpu.memory_space<vmem>> -> memref<128xi32, #tpu.memory_space<vmem>>
        %dma_start3A_14 = arith.constant 0 : i32
        %dma_start3A_15 = arith.constant 0 : i32
        %dma_start3A_16 = tpu.memref_slice %arg10[%dma_start3A_14, %dma_start3A_15] : memref<10240x128xf32, #tpu.memory_space<vmem_shared>> -> memref<10240x128xf32, #tpu.memory_space<vmem_shared>>
        tpu.enqueue_indirect_dma source(%arg9 : memref<128x128xf32, #tpu.memory_space<vmem>>) target(%dma_start3A_16 : memref<10240x128xf32, #tpu.memory_space<vmem_shared>>) offsets(%dma_start3A_13 : memref<128xi32, #tpu.memory_space<vmem>>) semaphore(%run_scoped3A : memref<!tpu.dma_semaphore, #tpu.memory_space<semaphore_mem>>) {add = true}
        %dma_wait3A = arith.constant 0 : i32
        %dma_wait3A_17 = tpu.memref_slice %arg8[%scan3A_11, %dma_wait3A] : memref<80x128xi32, #tpu.memory_space<vmem>> -> memref<1x128xi32, #tpu.memory_space<vmem>>
        %dma_wait3A_18 = tpu.memref_squeeze %dma_wait3A_17 : memref<1x128xi32, #tpu.memory_space<vmem>> -> memref<128xi32, #tpu.memory_space<vmem>>
        %dma_wait3A_19 = arith.constant 0 : i32
        %dma_wait3A_20 = arith.constant 0 : i32
        %dma_wait3A_21 = tpu.memref_slice %arg10[%dma_wait3A_19, %dma_wait3A_20] : memref<10240x128xf32, #tpu.memory_space<vmem_shared>> -> memref<10240x128xf32, #tpu.memory_space<vmem_shared>>
        tpu.wait_indirect_dma semaphore(%run_scoped3A : memref<!tpu.dma_semaphore, #tpu.memory_space<semaphore_mem>>) src(%arg9 : memref<128x128xf32, #tpu.memory_space<vmem>>) dst(%dma_wait3A_21 : memref<10240x128xf32, #tpu.memory_space<vmem_shared>>)
        tpu.yield
      }) : () -> ()
    }
    %scan3A_5 = arith.constant 80 : i32
    %barrier3A_6 = arith.constant 0 : index
    tpu.barrier barrier_id(%barrier3A_6)
    %mul3A_7 = arith.constant 640 : i32
    %mul3A_8 = arith.muli %arg1, %mul3A_7 : i32
    %mul3A_9 = arith.constant 640 : i32
    %mul3A_10 = arith.muli %arg1, %mul3A_9 : i32
    "tpu.region"() ({
      %run_scoped3A = tpu.sem_alloc : memref<!tpu.dma_semaphore, #tpu.memory_space<semaphore_mem>>
      %dma_start3A = arith.constant 0 : i32
      %dma_start3A_11 = tpu.memref_slice %arg6[%arg0, %mul3A_10, %dma_start3A] : memref<2x10240x128xf32, #tpu.memory_space<hbm>> -> memref<1x640x128xf32, #tpu.memory_space<hbm>>
      %dma_start3A_12 = tpu.memref_squeeze %dma_start3A_11 : memref<1x640x128xf32, #tpu.memory_space<hbm>> -> memref<640x128xf32, #tpu.memory_space<hbm>>
      %dma_start3A_13 = arith.constant 0 : i32
      %dma_start3A_14 = tpu.memref_slice %arg10[%mul3A_8, %dma_start3A_13] : memref<10240x128xf32, #tpu.memory_space<vmem_shared>> -> memref<640x128xf32, #tpu.memory_space<vmem_shared>>
      tpu.enqueue_dma source(%dma_start3A_14 : memref<640x128xf32, #tpu.memory_space<vmem_shared>>) target(%dma_start3A_12 : memref<640x128xf32, #tpu.memory_space<hbm>>) target_semaphore(%run_scoped3A : memref<!tpu.dma_semaphore, #tpu.memory_space<semaphore_mem>>)
      %dma_wait3A = arith.constant 0 : i32
      %dma_wait3A_15 = tpu.memref_slice %arg6[%arg0, %mul3A_10, %dma_wait3A] : memref<2x10240x128xf32, #tpu.memory_space<hbm>> -> memref<1x640x128xf32, #tpu.memory_space<hbm>>
      %dma_wait3A_16 = tpu.memref_squeeze %dma_wait3A_15 : memref<1x640x128xf32, #tpu.memory_space<hbm>> -> memref<640x128xf32, #tpu.memory_space<hbm>>
      %dma_wait3A_17 = arith.constant 0 : i32
      %dma_wait3A_18 = tpu.memref_slice %arg10[%mul3A_8, %dma_wait3A_17] : memref<10240x128xf32, #tpu.memory_space<vmem_shared>> -> memref<640x128xf32, #tpu.memory_space<vmem_shared>>
      tpu.wait_dma2 semaphore(%run_scoped3A : memref<!tpu.dma_semaphore, #tpu.memory_space<semaphore_mem>>) src(%dma_wait3A_18 : memref<640x128xf32, #tpu.memory_space<vmem_shared>>) dst(%dma_wait3A_16 : memref<640x128xf32, #tpu.memory_space<hbm>>)
      tpu.yield
    }) : () -> ()
    return
  }
}

#map = affine_map<(d0, d1) -> (0, 0, 0, 0)>
#map1 = affine_map<(d0, d1) -> (0)>
#map2 = affine_map<(d0, d1) -> (0, 0)>
module attributes {stable_mosaic.version = 14 : i64} {
  func.func @k(%arg0: i32, %arg1: i32, %arg2: memref<2x16x80x128xi32, #tpu.memory_space<hbm>>, %arg3: memref<640xf32, #tpu.memory_space<hbm>>, %arg4: memref<2x10240xf32, #tpu.memory_space<hbm>>, %arg5: memref<80x128xi32, #tpu.memory_space<vmem>>, %arg6: memref<128xf32, #tpu.memory_space<vmem>>, %arg7: memref<10240xf32, #tpu.memory_space<vmem_shared>>) attributes {dimension_semantics = [#tpu.dimension_semantics<core_parallel>, #tpu.dimension_semantics<subcore_parallel>], iteration_bounds = array<i64: 2, 16>, scalar_prefetch = 0 : i64, scratch_operands = 3 : i64, tpu.core_type = #tpu.core_type<sc_vector_subcore>, window_params = [{transform_indices = #map}, {transform_indices = #map1}, {transform_indices = #map2}]} {
    %broadcast_in_dim3A = arith.constant 1.000000e+00 : f32
    %broadcast_in_dim3A_0 = vector.broadcast %broadcast_in_dim3A : f32 to vector<16xf32>
    %swap3A = arith.constant 0 : index
    %swap3A_1 = tpu.vector_load %arg6[%swap3A] {strides = array<i32>} : memref<128xf32, #tpu.memory_space<vmem>>, vector<16xf32>,
    %swap3A_2 = vector.shape_cast %swap3A_1 : vector<16xf32> to vector<16xf32>
    %swap3A_3 = vector.shape_cast %broadcast_in_dim3A_0 : vector<16xf32> to vector<16xf32>
    tpu.vector_store %arg6[%swap3A], %swap3A_3 {strides = array<i32>} : memref<128xf32, #tpu.memory_space<vmem>>, vector<16xf32>,
    %broadcast_in_dim3A_4 = arith.constant 1.000000e+00 : f32
    %broadcast_in_dim3A_5 = vector.broadcast %broadcast_in_dim3A_4 : f32 to vector<16xf32>
    %swap3A_6 = arith.constant 16 : index
    %swap3A_7 = tpu.vector_load %arg6[%swap3A_6] {strides = array<i32>} : memref<128xf32, #tpu.memory_space<vmem>>, vector<16xf32>,
    %swap3A_8 = vector.shape_cast %swap3A_7 : vector<16xf32> to vector<16xf32>
    %swap3A_9 = vector.shape_cast %broadcast_in_dim3A_5 : vector<16xf32> to vector<16xf32>
    tpu.vector_store %arg6[%swap3A_6], %swap3A_9 {strides = array<i32>} : memref<128xf32, #tpu.memory_space<vmem>>, vector<16xf32>,
    %broadcast_in_dim3A_10 = arith.constant 1.000000e+00 : f32
    %broadcast_in_dim3A_11 = vector.broadcast %broadcast_in_dim3A_10 : f32 to vector<16xf32>
    %swap3A_12 = arith.constant 32 : index
    %swap3A_13 = tpu.vector_load %arg6[%swap3A_12] {strides = array<i32>} : memref<128xf32, #tpu.memory_space<vmem>>, vector<16xf32>,
    %swap3A_14 = vector.shape_cast %swap3A_13 : vector<16xf32> to vector<16xf32>
    %swap3A_15 = vector.shape_cast %broadcast_in_dim3A_11 : vector<16xf32> to vector<16xf32>
    tpu.vector_store %arg6[%swap3A_12], %swap3A_15 {strides = array<i32>} : memref<128xf32, #tpu.memory_space<vmem>>, vector<16xf32>,
    %broadcast_in_dim3A_16 = arith.constant 1.000000e+00 : f32
    %broadcast_in_dim3A_17 = vector.broadcast %broadcast_in_dim3A_16 : f32 to vector<16xf32>
    %swap3A_18 = arith.constant 48 : index
    %swap3A_19 = tpu.vector_load %arg6[%swap3A_18] {strides = array<i32>} : memref<128xf32, #tpu.memory_space<vmem>>, vector<16xf32>,
    %swap3A_20 = vector.shape_cast %swap3A_19 : vector<16xf32> to vector<16xf32>
    %swap3A_21 = vector.shape_cast %broadcast_in_dim3A_17 : vector<16xf32> to vector<16xf32>
    tpu.vector_store %arg6[%swap3A_18], %swap3A_21 {strides = array<i32>} : memref<128xf32, #tpu.memory_space<vmem>>, vector<16xf32>,
    %broadcast_in_dim3A_22 = arith.constant 1.000000e+00 : f32
    %broadcast_in_dim3A_23 = vector.broadcast %broadcast_in_dim3A_22 : f32 to vector<16xf32>
    %swap3A_24 = arith.constant 64 : index
    %swap3A_25 = tpu.vector_load %arg6[%swap3A_24] {strides = array<i32>} : memref<128xf32, #tpu.memory_space<vmem>>, vector<16xf32>,
    %swap3A_26 = vector.shape_cast %swap3A_25 : vector<16xf32> to vector<16xf32>
    %swap3A_27 = vector.shape_cast %broadcast_in_dim3A_23 : vector<16xf32> to vector<16xf32>
    tpu.vector_store %arg6[%swap3A_24], %swap3A_27 {strides = array<i32>} : memref<128xf32, #tpu.memory_space<vmem>>, vector<16xf32>,
    %broadcast_in_dim3A_28 = arith.constant 1.000000e+00 : f32
    %broadcast_in_dim3A_29 = vector.broadcast %broadcast_in_dim3A_28 : f32 to vector<16xf32>
    %swap3A_30 = arith.constant 80 : index
    %swap3A_31 = tpu.vector_load %arg6[%swap3A_30] {strides = array<i32>} : memref<128xf32, #tpu.memory_space<vmem>>, vector<16xf32>,
    %swap3A_32 = vector.shape_cast %swap3A_31 : vector<16xf32> to vector<16xf32>
    %swap3A_33 = vector.shape_cast %broadcast_in_dim3A_29 : vector<16xf32> to vector<16xf32>
    tpu.vector_store %arg6[%swap3A_30], %swap3A_33 {strides = array<i32>} : memref<128xf32, #tpu.memory_space<vmem>>, vector<16xf32>,
    %broadcast_in_dim3A_34 = arith.constant 1.000000e+00 : f32
    %broadcast_in_dim3A_35 = vector.broadcast %broadcast_in_dim3A_34 : f32 to vector<16xf32>
    %swap3A_36 = arith.constant 96 : index
    %swap3A_37 = tpu.vector_load %arg6[%swap3A_36] {strides = array<i32>} : memref<128xf32, #tpu.memory_space<vmem>>, vector<16xf32>,
    %swap3A_38 = vector.shape_cast %swap3A_37 : vector<16xf32> to vector<16xf32>
    %swap3A_39 = vector.shape_cast %broadcast_in_dim3A_35 : vector<16xf32> to vector<16xf32>
    tpu.vector_store %arg6[%swap3A_36], %swap3A_39 {strides = array<i32>} : memref<128xf32, #tpu.memory_space<vmem>>, vector<16xf32>,
    %broadcast_in_dim3A_40 = arith.constant 1.000000e+00 : f32
    %broadcast_in_dim3A_41 = vector.broadcast %broadcast_in_dim3A_40 : f32 to vector<16xf32>
    %swap3A_42 = arith.constant 112 : index
    %swap3A_43 = tpu.vector_load %arg6[%swap3A_42] {strides = array<i32>} : memref<128xf32, #tpu.memory_space<vmem>>, vector<16xf32>,
    %swap3A_44 = vector.shape_cast %swap3A_43 : vector<16xf32> to vector<16xf32>
    %swap3A_45 = vector.shape_cast %broadcast_in_dim3A_41 : vector<16xf32> to vector<16xf32>
    tpu.vector_store %arg6[%swap3A_42], %swap3A_45 {strides = array<i32>} : memref<128xf32, #tpu.memory_space<vmem>>, vector<16xf32>,
    "tpu.region"() ({
      %run_scoped3A = tpu.sem_alloc : memref<!tpu.dma_semaphore, #tpu.memory_space<semaphore_mem>>
      %dma_start3A = arith.constant 0 : i32
      %dma_start3A_57 = arith.constant 0 : i32
      %dma_start3A_58 = tpu.memref_slice %arg2[%arg0, %arg1, %dma_start3A, %dma_start3A_57] : memref<2x16x80x128xi32, #tpu.memory_space<hbm>> -> memref<1x1x80x128xi32, #tpu.memory_space<hbm>>
      %dma_start3A_59 = tpu.memref_squeeze %dma_start3A_58 : memref<1x1x80x128xi32, #tpu.memory_space<hbm>> -> memref<80x128xi32, #tpu.memory_space<hbm>>
      %dma_start3A_60 = arith.constant 0 : i32
      %dma_start3A_61 = arith.constant 0 : i32
      %dma_start3A_62 = tpu.memref_slice %arg2[%arg0, %arg1, %dma_start3A_60, %dma_start3A_61] : memref<2x16x80x128xi32, #tpu.memory_space<hbm>> -> memref<1x1x80x128xi32, #tpu.memory_space<hbm>>
      %dma_start3A_63 = tpu.memref_squeeze %dma_start3A_62 : memref<1x1x80x128xi32, #tpu.memory_space<hbm>> -> memref<80x128xi32, #tpu.memory_space<hbm>>
      tpu.enqueue_dma source(%dma_start3A_63 : memref<80x128xi32, #tpu.memory_space<hbm>>) target(%arg5 : memref<80x128xi32, #tpu.memory_space<vmem>>) target_semaphore(%run_scoped3A : memref<!tpu.dma_semaphore, #tpu.memory_space<semaphore_mem>>)
      %dma_wait3A = arith.constant 0 : i32
      %dma_wait3A_64 = arith.constant 0 : i32
      %dma_wait3A_65 = tpu.memref_slice %arg2[%arg0, %arg1, %dma_wait3A, %dma_wait3A_64] : memref<2x16x80x128xi32, #tpu.memory_space<hbm>> -> memref<1x1x80x128xi32, #tpu.memory_space<hbm>>
      %dma_wait3A_66 = tpu.memref_squeeze %dma_wait3A_65 : memref<1x1x80x128xi32, #tpu.memory_space<hbm>> -> memref<80x128xi32, #tpu.memory_space<hbm>>
      %dma_wait3A_67 = arith.constant 0 : i32
      %dma_wait3A_68 = arith.constant 0 : i32
      %dma_wait3A_69 = tpu.memref_slice %arg2[%arg0, %arg1, %dma_wait3A_67, %dma_wait3A_68] : memref<2x16x80x128xi32, #tpu.memory_space<hbm>> -> memref<1x1x80x128xi32, #tpu.memory_space<hbm>>
      %dma_wait3A_70 = tpu.memref_squeeze %dma_wait3A_69 : memref<1x1x80x128xi32, #tpu.memory_space<hbm>> -> memref<80x128xi32, #tpu.memory_space<hbm>>
      tpu.wait_dma2 semaphore(%run_scoped3A : memref<!tpu.dma_semaphore, #tpu.memory_space<semaphore_mem>>) src(%dma_wait3A_70 : memref<80x128xi32, #tpu.memory_space<hbm>>) dst(%arg5 : memref<80x128xi32, #tpu.memory_space<vmem>>)
      tpu.yield
    }) : () -> ()
    %mul3A = arith.constant 640 : i32
    %mul3A_46 = arith.muli %arg1, %mul3A : i32
    "tpu.region"() ({
      %run_scoped3A = tpu.sem_alloc : memref<!tpu.dma_semaphore, #tpu.memory_space<semaphore_mem>>
      %dma_start3A = tpu.memref_slice %arg7[%mul3A_46] : memref<10240xf32, #tpu.memory_space<vmem_shared>> -> memref<640xf32, #tpu.memory_space<vmem_shared>>
      tpu.enqueue_dma source(%arg3 : memref<640xf32, #tpu.memory_space<hbm>>) target(%dma_start3A : memref<640xf32, #tpu.memory_space<vmem_shared>>) target_semaphore(%run_scoped3A : memref<!tpu.dma_semaphore, #tpu.memory_space<semaphore_mem>>)
      %dma_wait3A = tpu.memref_slice %arg7[%mul3A_46] : memref<10240xf32, #tpu.memory_space<vmem_shared>> -> memref<640xf32, #tpu.memory_space<vmem_shared>>
      tpu.wait_dma2 semaphore(%run_scoped3A : memref<!tpu.dma_semaphore, #tpu.memory_space<semaphore_mem>>) src(%arg3 : memref<640xf32, #tpu.memory_space<hbm>>) dst(%dma_wait3A : memref<640xf32, #tpu.memory_space<vmem_shared>>)
      tpu.yield
    }) : () -> ()
    %barrier3A = arith.constant 0 : index
    tpu.barrier barrier_id(%barrier3A)
    %scan3A = arith.constant 0 : i32
    %scan3A_47 = arith.constant 0 : i32
    %scan3A_48 = arith.constant 80 : i32
    %scan3A_49 = arith.addi %scan3A_47, %scan3A_48 : i32
    %scan3A_50 = arith.constant 1 : i32
    scf.for %scan3A_57 = %scan3A_47 to %scan3A_49 step %scan3A_50  : i32 {
      "tpu.region"() ({
        %run_scoped3A = tpu.sem_alloc : memref<!tpu.dma_semaphore, #tpu.memory_space<semaphore_mem>>
        %dma_start3A = arith.constant 0 : i32
        %dma_start3A_58 = tpu.memref_slice %arg5[%scan3A_57, %dma_start3A] : memref<80x128xi32, #tpu.memory_space<vmem>> -> memref<1x128xi32, #tpu.memory_space<vmem>>
        %dma_start3A_59 = tpu.memref_squeeze %dma_start3A_58 : memref<1x128xi32, #tpu.memory_space<vmem>> -> memref<128xi32, #tpu.memory_space<vmem>>
        %dma_start3A_60 = arith.constant 0 : i32
        %dma_start3A_61 = tpu.memref_slice %arg7[%dma_start3A_60] : memref<10240xf32, #tpu.memory_space<vmem_shared>> -> memref<10240xf32, #tpu.memory_space<vmem_shared>>
        tpu.enqueue_indirect_dma source(%arg6 : memref<128xf32, #tpu.memory_space<vmem>>) target(%dma_start3A_61 : memref<10240xf32, #tpu.memory_space<vmem_shared>>) offsets(%dma_start3A_59 : memref<128xi32, #tpu.memory_space<vmem>>) semaphore(%run_scoped3A : memref<!tpu.dma_semaphore, #tpu.memory_space<semaphore_mem>>) {add = true}
        %dma_wait3A = arith.constant 0 : i32
        %dma_wait3A_62 = tpu.memref_slice %arg5[%scan3A_57, %dma_wait3A] : memref<80x128xi32, #tpu.memory_space<vmem>> -> memref<1x128xi32, #tpu.memory_space<vmem>>
        %dma_wait3A_63 = tpu.memref_squeeze %dma_wait3A_62 : memref<1x128xi32, #tpu.memory_space<vmem>> -> memref<128xi32, #tpu.memory_space<vmem>>
        %dma_wait3A_64 = arith.constant 0 : i32
        %dma_wait3A_65 = tpu.memref_slice %arg7[%dma_wait3A_64] : memref<10240xf32, #tpu.memory_space<vmem_shared>> -> memref<10240xf32, #tpu.memory_space<vmem_shared>>
        tpu.wait_indirect_dma semaphore(%run_scoped3A : memref<!tpu.dma_semaphore, #tpu.memory_space<semaphore_mem>>) src(%arg6 : memref<128xf32, #tpu.memory_space<vmem>>) dst(%dma_wait3A_65 : memref<10240xf32, #tpu.memory_space<vmem_shared>>)
        tpu.yield
      }) : () -> ()
    }
    %scan3A_51 = arith.constant 80 : i32
    %barrier3A_52 = arith.constant 0 : index
    tpu.barrier barrier_id(%barrier3A_52)
    %mul3A_53 = arith.constant 640 : i32
    %mul3A_54 = arith.muli %arg1, %mul3A_53 : i32
    %mul3A_55 = arith.constant 640 : i32
    %mul3A_56 = arith.muli %arg1, %mul3A_55 : i32
    "tpu.region"() ({
      %run_scoped3A = tpu.sem_alloc : memref<!tpu.dma_semaphore, #tpu.memory_space<semaphore_mem>>
      %dma_start3A = tpu.memref_slice %arg4[%arg0, %mul3A_56] : memref<2x10240xf32, #tpu.memory_space<hbm>> -> memref<1x640xf32, #tpu.memory_space<hbm>>
      %dma_start3A_57 = tpu.memref_squeeze %dma_start3A : memref<1x640xf32, #tpu.memory_space<hbm>> -> memref<640xf32, #tpu.memory_space<hbm>>
      %dma_start3A_58 = tpu.memref_slice %arg7[%mul3A_54] : memref<10240xf32, #tpu.memory_space<vmem_shared>> -> memref<640xf32, #tpu.memory_space<vmem_shared>>
      tpu.enqueue_dma source(%dma_start3A_58 : memref<640xf32, #tpu.memory_space<vmem_shared>>) target(%dma_start3A_57 : memref<640xf32, #tpu.memory_space<hbm>>) target_semaphore(%run_scoped3A : memref<!tpu.dma_semaphore, #tpu.memory_space<semaphore_mem>>)
      %dma_wait3A = tpu.memref_slice %arg4[%arg0, %mul3A_56] : memref<2x10240xf32, #tpu.memory_space<hbm>> -> memref<1x640xf32, #tpu.memory_space<hbm>>
      %dma_wait3A_59 = tpu.memref_squeeze %dma_wait3A : memref<1x640xf32, #tpu.memory_space<hbm>> -> memref<640xf32, #tpu.memory_space<hbm>>
      %dma_wait3A_60 = tpu.memref_slice %arg7[%mul3A_54] : memref<10240xf32, #tpu.memory_space<vmem_shared>> -> memref<640xf32, #tpu.memory_space<vmem_shared>>
      tpu.wait_dma2 semaphore(%run_scoped3A : memref<!tpu.dma_semaphore, #tpu.memory_space<semaphore_mem>>) src(%dma_wait3A_60 : memref<640xf32, #tpu.memory_space<vmem_shared>>) dst(%dma_wait3A_59 : memref<640xf32, #tpu.memory_space<hbm>>)
      tpu.yield
    }) : () -> ()
    return
  }
}

module attributes {stable_mosaic.version = 14 : i64} {
  func.func @body(%arg0: i32, %arg1: memref<1024x128xf32, #tpu.memory_space<vmem>>, %arg2: memref<128x128xf32, #tpu.memory_space<vmem>>, %arg3: memref<1024x128xf32, #tpu.memory_space<vmem>>) attributes {dimension_semantics = [#tpu.dimension_semantics<arbitrary>], iteration_bounds = array<i64: 10>, scalar_prefetch = 0 : i64, scratch_operands = 0 : i64, tpu.core_type = #tpu.core_type<tc>, window_params = [{transform_indices = @transform_0, window_bounds = array<i64: 1024, 128>}, {pipeline_mode = #tpu.pipeline_mode<synchronous>, transform_indices = @transform_1, window_bounds = array<i64: 128, 128>}, {transform_indices = @transform_2, window_bounds = array<i64: 1024, 128>}]} {
    %get3A = arith.constant 0 : index
    %get3A_0 = arith.constant 0 : index
    %get3A_1 = vector.load %arg1[%get3A, %get3A_0] : memref<1024x128xf32, #tpu.memory_space<vmem>>, vector<1024x128xf32>
    %get3A_2 = arith.constant 0 : index
    %get3A_3 = arith.constant 0 : index
    %get3A_4 = vector.load %arg2[%get3A_2, %get3A_3] : memref<128x128xf32, #tpu.memory_space<vmem>>, vector<128x128xf32>
    %dot_general3A = arith.constant dense<0.000000e+00> : vector<1024x128xf32>
    %dot_general3A_5 = tpu.matmul %get3A_1, %get3A_4, %dot_general3A {dimension_numbers = #tpu.dot_dimension_numbers<[1], [0], [0], [1], [0, 0, 1, 1], [], []>, transpose_lhs_hint = false} : vector<1024x128xf32>, vector<128x128xf32>, vector<1024x128xf32> -> vector<1024x128xf32>
    %swap3A = arith.constant 0 : index
    %swap3A_6 = arith.constant 0 : index
    %swap3A_7 = vector.load %arg3[%swap3A, %swap3A_6] : memref<1024x128xf32, #tpu.memory_space<vmem>>, vector<1024x128xf32>
    tpu.vector_store %arg3[%swap3A, %swap3A_6], %dot_general3A_5 {strides = array<i32>} : memref<1024x128xf32, #tpu.memory_space<vmem>>, vector<1024x128xf32>,
    return
  }
  func.func @transform_0(%arg0: i32) -> (i32, i32) {
    %c0_i32 = arith.constant 0 : i32
    %c0_i32_0 = arith.constant 0 : i32
    return %arg0, %c0_i32 : i32, i32
  }
  func.func @transform_1(%arg0: i32) -> (i32, i32) {
    %c0_i32 = arith.constant 0 : i32
    %c0_i32_0 = arith.constant 0 : i32
    %c0_i32_1 = arith.constant 0 : i32
    return %c0_i32, %c0_i32_0 : i32, i32
  }
  func.func @transform_2(%arg0: i32) -> (i32, i32) {
    %c0_i32 = arith.constant 0 : i32
    %c0_i32_0 = arith.constant 0 : i32
    return %arg0, %c0_i32 : i32, i32
  }
}

module attributes {stable_mosaic.version = 14 : i64} {
  func.func @body(%arg0: i32, %arg1: memref<1024x128xf32, #tpu.memory_space<vmem>>, %arg2: memref<2x1024x1xf32, #tpu.memory_space<vmem>>, %arg3: memref<1024x128xf32, #tpu.memory_space<vmem>>) attributes {dimension_semantics = [#tpu.dimension_semantics<arbitrary>], iteration_bounds = array<i64: 10>, scalar_prefetch = 0 : i64, scratch_operands = 0 : i64, tpu.core_type = #tpu.core_type<tc>, window_params = [{transform_indices = @transform_0, window_bounds = array<i64: 1024, 128>}, {transform_indices = @transform_1, window_bounds = array<i64: 2, 1024, 1>}, {transform_indices = @transform_2, window_bounds = array<i64: 1024, 128>}]} {
    %get3A = arith.constant 0 : index
    %get3A_0 = arith.constant 0 : index
    %get3A_1 = arith.constant 0 : index
    %get3A_2 = vector.load %arg2[%get3A, %get3A_0, %get3A_1] : memref<2x1024x1xf32, #tpu.memory_space<vmem>>, vector<1x1024x1xf32>
    %get3A_3 = vector.shape_cast %get3A_2 : vector<1x1024x1xf32> to vector<1024x1xf32>
    %get3A_4 = arith.constant 1 : index
    %get3A_5 = arith.constant 0 : index
    %get3A_6 = arith.constant 0 : index
    %get3A_7 = vector.load %arg2[%get3A_4, %get3A_5, %get3A_6] : memref<2x1024x1xf32, #tpu.memory_space<vmem>>, vector<1x1024x1xf32>
    %get3A_8 = vector.shape_cast %get3A_7 : vector<1x1024x1xf32> to vector<1024x1xf32>
    %add3A = arith.addf %get3A_3, %get3A_8 : vector<1024x1xf32>
    %add3A_9 = arith.constant 1.000000e+00 : f32
    %add3A_10 = vector.broadcast %add3A_9 : f32 to vector<1024x1xf32>
    %add3A_11 = arith.addf %add3A, %add3A_10 : vector<1024x1xf32>
    %get3A_12 = arith.constant 0 : index
    %get3A_13 = arith.constant 0 : index
    %get3A_14 = vector.load %arg1[%get3A_12, %get3A_13] : memref<1024x128xf32, #tpu.memory_space<vmem>>, vector<1024x128xf32>
    %rsqrt3A = math.rsqrt %add3A_11 : vector<1024x1xf32>
    %mul3A = vector.broadcast %rsqrt3A : vector<1024x1xf32> to vector<1024x128xf32>
    %mul3A_15 = arith.mulf %get3A_14, %mul3A : vector<1024x128xf32>
    %swap3A = arith.constant 0 : index
    %swap3A_16 = arith.constant 0 : index
    %swap3A_17 = vector.load %arg3[%swap3A, %swap3A_16] : memref<1024x128xf32, #tpu.memory_space<vmem>>, vector<1024x128xf32>
    tpu.vector_store %arg3[%swap3A, %swap3A_16], %mul3A_15 {strides = array<i32>} : memref<1024x128xf32, #tpu.memory_space<vmem>>, vector<1024x128xf32>,
    return
  }
  func.func @transform_0(%arg0: i32) -> (i32, i32) {
    %c0_i32 = arith.constant 0 : i32
    %c0_i32_0 = arith.constant 0 : i32
    return %arg0, %c0_i32 : i32, i32
  }
  func.func @transform_1(%arg0: i32) -> (i32, i32, i32) {
    %c0_i32 = arith.constant 0 : i32
    %c0_i32_0 = arith.constant 0 : i32
    %c0_i32_1 = arith.constant 0 : i32
    return %c0_i32, %arg0, %c0_i32_0 : i32, i32, i32
  }
  func.func @transform_2(%arg0: i32) -> (i32, i32) {
    %c0_i32 = arith.constant 0 : i32
    %c0_i32_0 = arith.constant 0 : i32
    return %arg0, %c0_i32 : i32, i32
  }
}

module attributes {stable_mosaic.version = 14 : i64} {
  func.func @body(%arg0: i32, %arg1: memref<2x1024x128xf32, #tpu.memory_space<vmem>>, %arg2: memref<1024x128xf32, #tpu.memory_space<vmem>>, %arg3: memref<2x1024x1xf32, #tpu.memory_space<vmem>>, %arg4: memref<1x128xf32, #tpu.memory_space<vmem>>, %arg5: memref<1024x128xf32, #tpu.memory_space<vmem>>) attributes {dimension_semantics = [#tpu.dimension_semantics<arbitrary>], iteration_bounds = array<i64: 10>, scalar_prefetch = 0 : i64, scratch_operands = 0 : i64, tpu.core_type = #tpu.core_type<tc>, window_params = [{transform_indices = @transform_0, window_bounds = array<i64: 2, 1024, 128>}, {transform_indices = @transform_1, window_bounds = array<i64: 1024, 128>}, {transform_indices = @transform_2, window_bounds = array<i64: 2, 1024, 1>}, {pipeline_mode = #tpu.pipeline_mode<synchronous>, transform_indices = @transform_3, window_bounds = array<i64: 1, 128>}, {transform_indices = @transform_4, window_bounds = array<i64: 1024, 128>}]} {
    %get3A = arith.constant 0 : index
    %get3A_0 = arith.constant 0 : index
    %get3A_1 = arith.constant 0 : index
    %get3A_2 = vector.load %arg3[%get3A, %get3A_0, %get3A_1] : memref<2x1024x1xf32, #tpu.memory_space<vmem>>, vector<1x1024x1xf32>
    %get3A_3 = vector.shape_cast %get3A_2 : vector<1x1024x1xf32> to vector<1024x1xf32>
    %get3A_4 = arith.constant 1 : index
    %get3A_5 = arith.constant 0 : index
    %get3A_6 = arith.constant 0 : index
    %get3A_7 = vector.load %arg3[%get3A_4, %get3A_5, %get3A_6] : memref<2x1024x1xf32, #tpu.memory_space<vmem>>, vector<1x1024x1xf32>
    %get3A_8 = vector.shape_cast %get3A_7 : vector<1x1024x1xf32> to vector<1024x1xf32>
    %add3A = arith.addf %get3A_3, %get3A_8 : vector<1024x1xf32>
    %add3A_9 = arith.constant 1.000000e+00 : f32
    %add3A_10 = vector.broadcast %add3A_9 : f32 to vector<1024x1xf32>
    %add3A_11 = arith.addf %add3A, %add3A_10 : vector<1024x1xf32>
    %rsqrt3A = math.rsqrt %add3A_11 : vector<1024x1xf32>
    %get3A_12 = arith.constant 0 : index
    %get3A_13 = arith.constant 0 : index
    %get3A_14 = arith.constant 0 : index
    %get3A_15 = vector.load %arg1[%get3A_12, %get3A_13, %get3A_14] : memref<2x1024x128xf32, #tpu.memory_space<vmem>>, vector<1x1024x128xf32>
    %get3A_16 = vector.shape_cast %get3A_15 : vector<1x1024x128xf32> to vector<1024x128xf32>
    %get3A_17 = arith.constant 1 : index
    %get3A_18 = arith.constant 0 : index
    %get3A_19 = arith.constant 0 : index
    %get3A_20 = vector.load %arg1[%get3A_17, %get3A_18, %get3A_19] : memref<2x1024x128xf32, #tpu.memory_space<vmem>>, vector<1x1024x128xf32>
    %get3A_21 = vector.shape_cast %get3A_20 : vector<1x1024x128xf32> to vector<1024x128xf32>
    %add3A_22 = arith.addf %get3A_16, %get3A_21 : vector<1024x128xf32>
    %get3A_23 = arith.constant 0 : index
    %get3A_24 = arith.constant 0 : index
    %get3A_25 = vector.load %arg2[%get3A_23, %get3A_24] : memref<1024x128xf32, #tpu.memory_space<vmem>>, vector<1024x128xf32>
    %add3A_26 = arith.addf %add3A_22, %get3A_25 : vector<1024x128xf32>
    %mul3A = vector.broadcast %rsqrt3A : vector<1024x1xf32> to vector<1024x128xf32>
    %mul3A_27 = arith.mulf %add3A_26, %mul3A : vector<1024x128xf32>
    %get3A_28 = arith.constant 0 : index
    %get3A_29 = arith.constant 0 : index
    %get3A_30 = vector.load %arg4[%get3A_28, %get3A_29] : memref<1x128xf32, #tpu.memory_space<vmem>>, vector<1x128xf32>
    %add3A_31 = vector.broadcast %get3A_30 : vector<1x128xf32> to vector<1024x128xf32>
    %add3A_32 = arith.addf %mul3A_27, %add3A_31 : vector<1024x128xf32>
    %max3A = arith.constant 0.000000e+00 : f32
    %max3A_33 = vector.broadcast %max3A : f32 to vector<1024x128xf32>
    %max3A_34 = arith.maximumf %add3A_32, %max3A_33 : vector<1024x128xf32>
    %swap3A = arith.constant 0 : index
    %swap3A_35 = arith.constant 0 : index
    %swap3A_36 = vector.load %arg5[%swap3A, %swap3A_35] : memref<1024x128xf32, #tpu.memory_space<vmem>>, vector<1024x128xf32>
    tpu.vector_store %arg5[%swap3A, %swap3A_35], %max3A_34 {strides = array<i32>} : memref<1024x128xf32, #tpu.memory_space<vmem>>, vector<1024x128xf32>,
    return
  }
  func.func @transform_0(%arg0: i32) -> (i32, i32, i32) {
    %c0_i32 = arith.constant 0 : i32
    %c0_i32_0 = arith.constant 0 : i32
    %c0_i32_1 = arith.constant 0 : i32
    return %c0_i32, %arg0, %c0_i32_0 : i32, i32, i32
  }
  func.func @transform_1(%arg0: i32) -> (i32, i32) {
    %c0_i32 = arith.constant 0 : i32
    %c0_i32_0 = arith.constant 0 : i32
    return %arg0, %c0_i32 : i32, i32
  }
  func.func @transform_2(%arg0: i32) -> (i32, i32, i32) {
    %c0_i32 = arith.constant 0 : i32
    %c0_i32_0 = arith.constant 0 : i32
    %c0_i32_1 = arith.constant 0 : i32
    return %c0_i32, %arg0, %c0_i32_0 : i32, i32, i32
  }
  func.func @transform_3(%arg0: i32) -> (i32, i32) {
    %c0_i32 = arith.constant 0 : i32
    %c0_i32_0 = arith.constant 0 : i32
    %c0_i32_1 = arith.constant 0 : i32
    return %c0_i32, %c0_i32_0 : i32, i32
  }
  func.func @transform_4(%arg0: i32) -> (i32, i32) {
    %c0_i32 = arith.constant 0 : i32
    %c0_i32_0 = arith.constant 0 : i32
    return %arg0, %c0_i32 : i32, i32
  }
}

</mosaic_0001>

<sc_bundles>
// kernel: kernel.10.cloned.1.call-start
scs
__scs_entry_jumppad:
0x0: {  	(pc) =	sbr.rel $0x88, $3  }
0x1: {  	(tag) =	ssettag $0x0;
	lr =	simm.s32 $0x1  }
0x2: {  	[smem:$0x3F9D] =	sst lr;
	_ =	strace $0xD0000000  }
0x3: {  	_ = 	snop  }
0x4: {  	_ = 	snop  }
0x5: {  	_ = 	snop  }
0x6: {  	_ = 	snop  }
0x7: {  	_ = 	snop  }
__scs_overlays_trampoline_lowered:
0x8: {  	[smem:$0x3FAC] =	sst s0  }
0x9: {  	[smem:$0x3FAD] =	sst s1  }
0xa: {  	[smem:$0x3FAE] =	sst s2  }
0xb: {  	[smem:$0x3FAF] =	sst s3  }
0xc: {  	[smem:$0x3FB0] =	sst s4  }
0xd: {  	[smem:$0x3FB1] =	sst s5  }
0xe: {  	[smem:$0x3FB2] =	sst s6  }
0xf: {  	[smem:$0x3FB3] =	sst s7  }
0x10: {  	[smem:$0x3FB4] =	sst s8  }
0x11: {  	[smem:$0x3FB5] =	sst s9;
	s0 =	simm.s32 @!p0 $0x0  }
0x12: {  	s1 =	sld [smem:$0x3F9B];
	s0 =	simm.s32 @p0 $0x1  }
0x13: {  	[smem:$0x3FB6] =	sst s0;
	s0 =	simm.s32 @!p1 $0x0  }
0x14: {  	s2 =	sld [smem:$0x3F9A];
	s0 =	simm.s32 @p1 $0x1  }
0x15: {  	[smem:$0x3FB7] =	sst s0;
	s0 =	simm.s32 @!p2 $0x0  }
0x16: {  	s3 =	sld [smem:$0x3FDB];
	s0 =	simm.s32 @p2 $0x1  }
0x17: {  	s4 =	simm.s32 $0x1BF5;
	[smem:$0x3FB9] =	sst s0  }
0x18: {  	s0 =	sld [smem:$0x3F9C];
	_ =	swait.ge [sflag:s4], $0x0  }
0x19: {  	s7 =	sld [smem:$0x3F9D]  }
0x1a: {  	s8 =	sadd.s32 $0xFFFFE003, lr  }
0x1b: {  	s9 =	sadd.s32 $0xFFFFFEF7, lr;
	s5 =	simm.s32 $0xFFFFFFFF;
	p2 =	slt.u32 s8, $0xFFFFF086  }
0x1c: {  	p1 =	slt.u32 s9, $0xF7A;
	s5 =	simm.s32 @!p2 $0x0  }
0x1d: {  	s5 =	simm.s32 @p1 $0x1;
	p0 =	seq.s32 s7, s2  }
0x1e: {  	s7 =	smul.u32 @!p0 $0xF7A, s2;
	p2 =	seq.s32 @!p0 s5, $0x0  }
0x1f: {  	s9 =	smul.u32 $0xF7A, s1;
	s8 =	simm.s32 @!p0 $0x1BF5;
	p2 =	por !p2, p0  }
0x20: {  	[sflag:s8] =	ssyncset.s32 @!p0 $0xFFFFF086;
	s6 =	sadd.s32 @!p0 s3, s7;
	s7 =	simm.s32 @!p0 $0x108  }
0x21: {  	s3 =	sadd.s32 s3, s9;
	s6 =	sadd.s32 @!p0 $0x88, s6;
	s7 =	simm.s32 @p2 $0x1082  }
0x22: {  	[simem:s7], [sflag:s8] =	dma.local @!p0 [hbm:s6], $0xF7A  }
0x23: {  	s9 =	sor.u32 $0xD0000000, s2;
	s6 =	simm.s32 $0x108;
	_ =	swait.ge @!p0 [sflag:s8], $0x0  }
0x24: {  	s3 =	sadd.s32 $0x88, s3;
	s6 =	simm.s32 @!p1 $0x1082;
	[sflag:s4] =	ssyncset.s32 $0xFFFFF086  }
0x25: {  	[simem:s6], [sflag:s4] =	dma.local [hbm:s3], $0xF7A  }
0x26: {  	[smem:$0x3F9D] =	sst s1;
	(tag) =	ssettag s2;
	_ =	strace s9  }
0x27: {  	s1 =	sld [smem:$0x3FAD]  }
0x28: {  	s2 =	sld [smem:$0x3FAE]  }
0x29: {  	s4 =	sld [smem:$0x3FB0]  }
0x2a: {  	p0 =	seq.s32 s5, $0x0;
	s5 =	sld [smem:$0x3FB1]  }
0x2b: {  	s6 =	sld [smem:$0x3FB2]  }
0x2c: {  	s7 =	sld [smem:$0x3FB3]  }
0x2d: {  	s3 =	simm.s32 $0x108;
	s8 =	sld [smem:$0x3FB4]  }
0x2e: {  	s3 =	simm.s32 @!p0 $0x1082;
	s9 =	sld [smem:$0x3FB5]  }
0x2f: {  	lr =	sadd.s32 s0, s3;
	s0 =	sld [smem:$0x3FAC]  }
0x30: {  	s3 =	sld [smem:$0x3FAF]  }
0x31: {  	[smem:$0x3FB8] =	sst s10  }
0x32: {  	s10 =	sld [smem:$0x3FB6];
	_ =	sdelay $0x3  }
0x33: {  	p0 =	seq.s32 s10, $0x1;
	s10 =	sld [smem:$0x3FB8];
	_ =	sdelay $0x3  }
0x34: {  	[smem:$0x3FB8] =	sst s10  }
0x35: {  	s10 =	sld [smem:$0x3FB7];
	_ =	sdelay $0x3  }
0x36: {  	p1 =	seq.s32 s10, $0x1;
	s10 =	sld [smem:$0x3FB8];
	_ =	sdelay $0x3  }
0x37: {  	[smem:$0x3FB8] =	sst s10  }
0x38: {  	s10 =	sld [smem:$0x3FB9]  }
0x39: {  	_ = 	snop;
	(pc) =	sbr.ind lr, $3  }
0x3a: {  	_ = 	snop  }
0x3b: {  	_ = 	snop  }
0x3c: {  	p2 =	seq.s32 s10, $0x1;
	s10 =	sld [smem:$0x3FB8]  }
0x3d: {  	_ =	shalt  }
0x3e: {  	_ =	shalt  }
0x3f: {  	_ =	shalt  }
0x40: {  	_ =	shalt  }
0x41: {  	_ =	shalt  }
0x42: {  	_ =	shalt  }
0x43: {  	_ =	shalt  }
0x44: {  	_ =	shalt  }
0x45: {  	_ =	shalt  }
0x46: {  	_ =	shalt  }
0x47: {  	_ =	shalt  }
0x48: {  	_ =	shalt  }
0x49: {  	_ =	shalt  }
0x4a: {  	_ =	shalt  }
0x4b: {  	_ =	shalt  }
0x4c: {  	_ =	shalt  }
0x4d: {  	_ =	shalt  }
0x4e: {  	_ =	shalt  }
0x4f: {  	_ =	shalt  }
0x50: {  	_ =	shalt  }
0x51: {  	_ =	shalt  }
0x52: {  	_ =	shalt  }
0x53: {  	_ =	shalt  }
0x54: {  	_ =	shalt  }
0x55: {  	_ =	shalt  }
0x56: {  	_ =	shalt  }
0x57: {  	_ =	shalt  }
0x58: {  	_ =	shalt  }
0x59: {  	_ =	shalt  }
0x5a: {  	_ =	shalt  }
0x5b: {  	_ =	shalt  }
0x5c: {  	_ =	shalt  }
0x5d: {  	_ =	shalt  }
0x5e: {  	_ =	shalt  }
0x5f: {  	_ =	shalt  }
0x60: {  	_ =	shalt  }
0x61: {  	_ =	shalt  }
0x62: {  	_ =	shalt  }
0x63: {  	_ =	shalt  }
0x64: {  	_ =	shalt  }
0x65: {  	_ =	shalt  }
0x66: {  	_ =	shalt  }
0x67: {  	_ =	shalt  }
0x68: {  	_ =	shalt  }
0x69: {  	_ =	shalt  }
0x6a: {  	_ =	shalt  }
0x6b: {  	_ =	shalt  }
0x6c: {  	_ =	shalt  }
0x6d: {  	_ =	shalt  }
0x6e: {  	_ =	shalt  }
0x6f: {  	_ =	shalt  }
0x70: {  	_ =	shalt  }
0x71: {  	_ =	shalt  }
0x72: {  	_ =	shalt  }
0x73: {  	_ =	shalt  }
0x74: {  	_ =	shalt  }
0x75: {  	_ =	shalt  }
0x76: {  	_ =	shalt  }
0x77: {  	_ =	shalt  }
0x78: {  	_ =	shalt  }
0x79: {  	_ =	shalt  }
0x7a: {  	_ =	shalt  }
0x7b: {  	_ =	shalt  }
0x7c: {  	_ =	shalt  }
0x7d: {  	_ =	shalt  }
0x7e: {  	_ =	shalt  }
0x7f: {  	_ =	shalt  }
0x80: {  	_ =	shalt  }
0x81: {  	_ =	shalt  }
0x82: {  	_ =	shalt  }
0x83: {  	_ =	shalt  }
0x84: {  	_ =	shalt  }
0x85: {  	_ =	shalt  }
0x86: {  	_ =	shalt  }
0x87: {  	_ =	shalt  }
.Lfunc_end0:
.L_simem_size_0:
called_computation.1_lowered:
.L_overlay_start_0:
0x88: {  	s2 =	sld [smem:$0x3FD9]  }
0x89: {  	s3 =	sld [smem:$0x3FFE];
	_ =	sdelay $0x1  }
0x8a: {  	s1 =	srdreg.scid  }
0x8b: {  	s0 =	sand.u32 $0x1, s1  }
0x8c: {  	s17 =	sshll.u32 s0, $0xA;
	s2 =	sadd.s32 s3, s2  }
0x8d: {  	s2 =	sadd.s32 s2, s17  }
0x8e: {  	[smem:$0x3FC4] =	sst s2  }
0x8f: {  	_ = 	snop  }
0x90: {  	s2 =	sld [smem:$0x3FD0];
	(tm) =	ssettm $0x1  }
0x91: {  	s18 =	sld [smem:$0x3FFB];
	_ =	sdelay $0x3  }
0x92: {  	_ =	strace s18  }
0x93: {  	s3 =	sld [smem:$0x3FFC];
	_ =	sdelay $0x3  }
0x94: {  	_ =	strace s3  }
0x95: {  	s3 =	sld [smem:$0x3FFD];
	_ =	sdelay $0x3  }
0x96: {  	_ =	strace s3  }
0x97: {  	_ =	strace $0x8FFFFFFF  }
0x98: {  	s19 =	sld [smem:$0x3FDB];
	_ =	sdelay $0x1  }
0x99: {  	s4 =	simm.s32 $_scs_section_size  }
0x9a: {  	s5 =	simm.s32 $_size__tile_overlayer_lowered;
	s6 =	simm.s32 $_tile_overlayer_lowered  }
0x9b: {  	s22 =	simm.s32 $0x1BFF;
	s21 =	sshll.u32 s6, $0x1;
	s3 =	sadd.s32 s4, s19  }
0x9c: {  	s7 =	simm.s32 $0x0;
	s20 =	sshll.u32 s5, $0x1;
	s5 =	sadd.s32 s21, s3  }
0x9d: {  	[timem:s7], [sflag:s22] =	dma.local [hbm:s5], s20  }
0x9e: {  	_ =	swait.ge [sflag:s22], s20  }
0x9f: {  	s4 =	ssub.s32 $0x0, s20;
	[sflag:s22] =	ssyncset.done $0x0  }
0xa0: {  	[sflag:s22] =	ssyncadd.s32 s4;
	_ =	sdelay $0x1  }
0xa1: {  	s23 =	simm.s32 $0x1B8B  }
0xa2: {  	_ =	swait.ge [sflag:s23], $0x1  }
0xa3: {  	[sflag:s23] =	ssyncset.done $0x0  }
0xa4: {  	s25 =	simm.s32 $0x1B8E;
	s24 =	sld [smem:$0x3FFE];
	[sflag:s23] =	ssyncadd.s32 $0xFFFFFFFF  }
0xa5: {  	s26 =	simm.s32 $execute0_lowered;
	[smem:$0x3FD2] =	sst s25  }
0xa6: {  	s5 =	sshll.u32 s26, $0x1;
	_ =	strace $0x80000049;
	[dreg:$0x1] =	wrdreg $0xFFFFFFFF  }
0xa7: {  	s28 =	simm.s32 $_size_execute0_lowered;
	s3 =	sadd.s32 s3, s5;
	[dreg:$0x0] =	wrdreg $0x0  }
0xa8: {  	s5 =	sshll.u32 s28, $0x1;
	[dreg:$0x2] =	wrdreg s3  }
0xa9: {  	[dreg:$0x3] =	wrdreg s5  }
0xaa: {  	[dreg:$0x4] =	wrdreg $0xC0  }
0xab: {  	_ =	task [dreg:s7], $0x5FFFF  }
0xac: {  	[dreg:$0x1] =	wrdreg $0xFFFFFFFF  }
0xad: {  	[dreg:$0x0] =	wrdreg $0x60  }
0xae: {  	[dreg:$0x2] =	wrdreg s2  }
0xaf: {  	[dreg:$0x3] =	wrdreg s24  }
0xb0: {  	[dreg:$0x4] =	wrdreg $0x90000  }
0xb1: {  	[dreg:$0x5] =	wrdreg $0x9  }
0xb2: {  	_ =	task.clear_ibuf [dreg:s7], $0x6FFFF;
	_ =	strace $0x90000049  }
0xb3: {  	s29 =	simm.s32 $0x9;
	_ =	strace $0x8000004B  }
0xb4: {  	_ =	swait.ge [sflag:s29], $0x1  }
0xb5: {  	[sflag:s29] =	ssyncadd.s32 $0xFFFFFFFF  }
0xb6: {  	_ =	strace $0x9000004B  }
0xb7: {  	_ =	sfence  }
0xb8: {  	s30 =	sld [smem:$0x0];
	_ =	sdelay $0x2  }
0xb9: {  	s31 =	sshll.u32 s1, $0xD;
	s1 =	sshrl.u32 s1, $0x2  }
0xba: {  	s3 =	sand.u32 $0x4000, s31;
	s1 =	sadd.s32 s1, s30  }
0xbb: {  	s0 =	sor.u32 s3, s0;
	s1 =	sshll.u32 s1, $0x11  }
0xbc: {  	s0 =	sor.u32 s1, s0  }
0xbd: {  	s0 =	sadd.s32 $0x8F2B, s0  }
0xbe: {  	[sflag:s0] =	ssyncadd.remote.s32 $0x1  }
0xbf: {  	_ =	sfence.sel $0xFFFF  }
0xc0: {  	[dreg:$0x0] =	wrdreg $0xFFFFFFFF;
	(pc) =	sbr.abs _section_cstart, $3  }
0xc1: {  	[dreg:$0x1] =	wrdreg $0xFFFFFFFF  }
0xc2: {  	_ =	task.clear_ibuf [dreg:s7], $0x2FFFF;
	_ =	strace $0x9FFFFFFF  }
0xc3: {  	(tm) =	ssettm $0x7FFFFFFF  }
tec
execute0_lowered:
.L_overlay_start_1:
0x0: {  	(tag) =	ssettag $0x1  }
0x1: {  	s6 =	rddreg [dreg:$0x0]  }
0x2: {  	s0 =	srdreg.scid;
	s7 =	rddreg [dreg:$0x1]  }
0x3: {  	s2 =	rddreg [dreg:$0x2];
	s5 =	sand.u32 $0x1, s0  }
0x4: {  	s0 =	stileid.u32;
	s4 =	smul.u32 $0x28000, s5  }
0x5: {  	s1 =	rddreg [dreg:$0x3];
	s3 =	simm.s32 $0x0;
	s8 =	smul.u32 $0x2800, s0  }
0x6: {  	s14 =	simm.s32 $0x80;
	s15 =	simm.s32 $0x5000;
	s9 =	smul.u32 $0x140000, s5  }
0x7: {  	s16 =	simm.s32 $0x0;
	[smem:$0x7FF] =	sst s3;
	s26 =	smul.u32 $0x14000, s0  }
0x8: {  	_ =	strace $0x8000004A;
	s28 =	ssub.s32 $0x2, s5;
	s12 =	smul.u32 $0x50000, s0  }
0x9: {  	s5 =	sadd.s32 $0x83400, s7;
	s31 =	sshll.u32 s0, $0x6;
	s29 =	sshrl.u32 s28, $0x1  }
0xa: {  	s4 =	sadd.s32 s8, s4;
	s8 =	sadd.s32 s26, s9;
	s9 =	ssub.s32 s28, s29  }
0xb: {  	s30 =	sshrl.u32 s12, $0x2;
	s12 =	sor.u32 $0x1C01, s31;
	s10 =	sshrl.u32 s4, $0x3  }
0xc: {  	s4 =	sadd.s32 $0x5B400, s7;
	s8 =	sshrl.u32 s8, $0x3;
	s13 =	sadd.s32 s30, s2  }
0xd: {  	s9 =	smax.u32 s9, $0x1;
	s11 =	sadd.s32 s10, s7;
	s8 =	sadd.s32 s8, s7  }
0xe: {  	s6 =	sadd.s32 s6, s10;
	s10 =	simm.s32 $0x1;
	s13 =	sshrl.u32 s13, $0x3  }
0xf: {  	s7 =	sadd.s32 $0x1400, s11;
	s8 =	sadd.s32 $0x85C00, s8;
	s11 =	simm.s32 $0x2800  }
.LBB2_1:
0x10: {  	[tilespmem:s3], [sflag:$0x1] =	stream.linear.gather [hbm4b:s6+s3], $0x2800, $0x38;
	[tilespmem:$0x1D000] =	vst v63  }
0x11: {  	_ =	swait.ge [sflag:s10], $0x2800  }
0x12: {  	[sflag:s10] =	ssyncset.done $0x0  }
0x13: {  	[sflag:s10] =	ssyncadd.s32 $0xFFFFD800  }
0x14: {  	[tilespmem:s11], [sflag:$0x1] =	stream.linear.gather [hbm4b:s7+s3], $0x2800, $0x38;
	[tilespmem:$0x1D000] =	vst v63  }
0x15: {  	_ =	swait.ge [sflag:s10], $0x2800  }
0x16: {  	[sflag:s10] =	ssyncset.done $0x0  }
0x17: {  	[sflag:s10] =	ssyncadd.s32 $0xFFFFD800  }
0x18: {  	[spmem:s13], [sflag:s12] =	dma.local [hbm:s5], $0x2800  }
0x19: {  	_ =	swait.ge [sflag:s10], $0x2800  }
0x1a: {  	[sflag:s10] =	ssyncset.done $0x0  }
0x1b: {  	[sflag:s10] =	ssyncadd.s32 $0xFFFFD800  }
0x1c: {  	s17 =	simm.s32 $0x0;
	[bflag:$0x0] =	sbarrier.arrive $0xFFFF  }
0x1d: {  	[tilespmem:s15], [sflag:$0x1] =	stream.indirect.gather [hbm4b:s4+s14], $0x80, s17, s14, $0xb8;
	[tilespmem:$0x1D000] =	vst v63  }
0x1e: {  	_ =	swait.ge [sflag:s10], $0x4000  }
0x1f: {  	[sflag:s10] =	ssyncset.done $0x0  }
0x20: {  	s31 =	simm.s32 $0x2800;
	[sflag:s10] =	ssyncadd.s32 $0xFFFFC000  }
0x21: {  	[spmem:s2] =	stream.indirect.scatter.add.f32 [tilespmem:s15], [sflag:$0x1], $0x80, s31, s14, $0xb8;
	[tilespmem:$0x1D000] =	vst v63  }
0x22: {  	_ =	swait.ge [sflag:s10], $0x4000  }
0x23: {  	s18 =	simm.s32 $0x400;
	s17 =	simm.s32 $0x200;
	[sflag:s10] =	ssyncset.done $0x0  }
.LBB2_2:
0x24: {  	s19 =	sshra.s32 s17, $0x2  }
0x25: {  	[sflag:s10] =	ssyncadd.s32 $0xFFFFC000;
	s17 =	smov.u32 s18;
	s20 =	sadd.s32 $0x200, s18  }
0x26: {  	[tilespmem:s15], [sflag:$0x1] =	stream.indirect.gather [hbm4b:s4+s14], $0x80, s19, s14, $0xb8;
	[tilespmem:$0x1D000] =	vst v63  }
0x27: {  	p0 =	sne.s32 s18, $0x9E00;
	_ =	swait.ge [sflag:s10], $0x4000  }
.Ltmp0:
0x28: {  	[sflag:s10] =	ssyncset.done $0x0;
	(pc) =	sbr.rel @p0 .LBB2_2-.Ltmp0, $4  }
0x29: {  	s18 =	sadd.s32 $0x2800, s19;
	[sflag:s10] =	ssyncadd.s32 $0xFFFFC000  }
0x2a: {  	[spmem:s2] =	stream.indirect.scatter.add.f32 [tilespmem:s15], [sflag:$0x1], $0x80, s18, s14, $0xb8;
	[tilespmem:$0x1D000] =	vst v63  }
0x2b: {  	_ =	swait.ge [sflag:s10], $0x4000  }
0x2c: {  	s18 =	smov.u32 s20;
	[sflag:s10] =	ssyncset.done $0x0  }
0x2d: {  	s17 =	sshra.s32 s17, $0x2;
	[sflag:s10] =	ssyncadd.s32 $0xFFFFC000  }
0x2e: {  	[tilespmem:s15], [sflag:$0x1] =	stream.indirect.gather [hbm4b:s4+s14], $0x80, s17, s14, $0xb8;
	[tilespmem:$0x1D000] =	vst v63  }
0x2f: {  	_ =	swait.ge [sflag:s10], $0x4000  }
0x30: {  	[sflag:s10] =	ssyncset.done $0x0  }
0x31: {  	s17 =	sadd.s32 $0x2800, s17;
	[sflag:s10] =	ssyncadd.s32 $0xFFFFC000  }
0x32: {  	[spmem:s2] =	stream.indirect.scatter.add.f32 [tilespmem:s15], [sflag:$0x1], $0x80, s17, s14, $0xb8;
	[tilespmem:$0x1D000] =	vst v63  }
0x33: {  	_ =	swait.ge [sflag:s10], $0x4000  }
0x34: {  	s16 =	sadd.s32 $0x1, s16;
	[sflag:s10] =	ssyncset.done $0x0  }
0x35: {  	p0 =	sne.s32 s16, s9;
	[sflag:s10] =	ssyncadd.s32 $0xFFFFC000  }
.Ltmp1:
0x36: {  	[bflag:$0x0] =	sbarrier.arrive $0xFFFF;
	(pc) =	sbr.rel @p0 .LBB2_1-.Ltmp1, $4  }
0x37: {  	[hbm:s8], [sflag:s12] =	dma.local [spmem:s13], $0x2800  }
0x38: {  	_ =	swait.ge [sflag:s10], $0x2800  }
0x39: {  	[sflag:s10] =	ssyncset.done $0x0  }
0x3a: {  	[sflag:s10] =	ssyncadd.s32 $0xFFFFD800  }
0x3b: {  	_ =	sfence.sel $0x180000  }
0x3c: {  	[bflag:$0x0] =	sbarrier.arrive $0xFFFF  }
0x3d: {  	p0 =	sne.s32 s0, $0x0;
	_ =	strace $0x9000004A  }
0x3e: {  	s0 =	sadd.s32 @!p0 $0x100000, s1;
	[bflag:$0x2] =	sbarrier.arrive $0xFFFF  }
0x3f: {  	[sflag:s0] =	ssyncadd.tile.s32 @!p0 $0x1;
	_ =	shalt  }
.Lfunc_end2:
_tile_overlayer_lowered:
.L_overlay_start_2:
0x40: {  	(tag) =	ssettag $0x2  }
0x41: {  	s0 =	rddreg [dreg:$0x0];
	s2 =	stileid.u32  }
0x42: {  	s1 =	rddreg [dreg:$0x1];
	p0 =	sne.s32 s2, $0x0  }
0x43: {  	s3 =	rddreg [dreg:$0x2];
	[bflag:$0x3] =	sbarrier.arrive $0xFFFF;
	s2 =	simm.s32 @!p0 $0x1C01  }
0x44: {  	[timem:s3], [sflag:s2] =	dma.local @!p0 [hbm:s0], s1  }
0x45: {  	s0 =	simm.s32 @!p0 $0x1  }
0x46: {  	_ =	swait.ge @!p0 [sflag:s0], s1  }
0x47: {  	s1 =	ssub.s32 @!p0 $0x0, s1;
	[sflag:s0] =	ssyncset.done @!p0 $0x0  }
0x48: {  	[sflag:s0] =	ssyncadd.s32 @!p0 s1  }
0x49: {  	[bflag:$0x3] =	sbarrier.arrive $0xFFFF  }
0x4a: {  	_ =	shalt  }

// kernel: kernel.7.cloned.1.call-start
scs
__scs_entry_jumppad:
0x0: {  	(pc) =	sbr.rel $0x88, $3  }
0x1: {  	(tag) =	ssettag $0x0;
	lr =	simm.s32 $0x1  }
0x2: {  	[smem:$0x3F9D] =	sst lr;
	_ =	strace $0xD0000000  }
0x3: {  	_ = 	snop  }
0x4: {  	_ = 	snop  }
0x5: {  	_ = 	snop  }
0x6: {  	_ = 	snop  }
0x7: {  	_ = 	snop  }
__scs_overlays_trampoline_lowered:
0x8: {  	[smem:$0x3FAC] =	sst s0  }
0x9: {  	[smem:$0x3FAD] =	sst s1  }
0xa: {  	[smem:$0x3FAE] =	sst s2  }
0xb: {  	[smem:$0x3FAF] =	sst s3  }
0xc: {  	[smem:$0x3FB0] =	sst s4  }
0xd: {  	[smem:$0x3FB1] =	sst s5  }
0xe: {  	[smem:$0x3FB2] =	sst s6  }
0xf: {  	[smem:$0x3FB3] =	sst s7  }
0x10: {  	[smem:$0x3FB4] =	sst s8  }
0x11: {  	[smem:$0x3FB5] =	sst s9;
	s0 =	simm.s32 @!p0 $0x0  }
0x12: {  	s1 =	sld [smem:$0x3F9B];
	s0 =	simm.s32 @p0 $0x1  }
0x13: {  	[smem:$0x3FB6] =	sst s0;
	s0 =	simm.s32 @!p1 $0x0  }
0x14: {  	s2 =	sld [smem:$0x3F9A];
	s0 =	simm.s32 @p1 $0x1  }
0x15: {  	[smem:$0x3FB7] =	sst s0;
	s0 =	simm.s32 @!p2 $0x0  }
0x16: {  	s3 =	sld [smem:$0x3FDB];
	s0 =	simm.s32 @p2 $0x1  }
0x17: {  	s4 =	simm.s32 $0x1BF5;
	[smem:$0x3FB9] =	sst s0  }
0x18: {  	s0 =	sld [smem:$0x3F9C];
	_ =	swait.ge [sflag:s4], $0x0  }
0x19: {  	s7 =	sld [smem:$0x3F9D]  }
0x1a: {  	s8 =	sadd.s32 $0xFFFFE003, lr  }
0x1b: {  	s9 =	sadd.s32 $0xFFFFFEF7, lr;
	s5 =	simm.s32 $0xFFFFFFFF;
	p2 =	slt.u32 s8, $0xFFFFF086  }
0x1c: {  	p1 =	slt.u32 s9, $0xF7A;
	s5 =	simm.s32 @!p2 $0x0  }
0x1d: {  	s5 =	simm.s32 @p1 $0x1;
	p0 =	seq.s32 s7, s2  }
0x1e: {  	s7 =	smul.u32 @!p0 $0xF7A, s2;
	p2 =	seq.s32 @!p0 s5, $0x0  }
0x1f: {  	s9 =	smul.u32 $0xF7A, s1;
	s8 =	simm.s32 @!p0 $0x1BF5;
	p2 =	por !p2, p0  }
0x20: {  	[sflag:s8] =	ssyncset.s32 @!p0 $0xFFFFF086;
	s6 =	sadd.s32 @!p0 s3, s7;
	s7 =	simm.s32 @!p0 $0x108  }
0x21: {  	s3 =	sadd.s32 s3, s9;
	s6 =	sadd.s32 @!p0 $0x88, s6;
	s7 =	simm.s32 @p2 $0x1082  }
0x22: {  	[simem:s7], [sflag:s8] =	dma.local @!p0 [hbm:s6], $0xF7A  }
0x23: {  	s9 =	sor.u32 $0xD0000000, s2;
	s6 =	simm.s32 $0x108;
	_ =	swait.ge @!p0 [sflag:s8], $0x0  }
0x24: {  	s3 =	sadd.s32 $0x88, s3;
	s6 =	simm.s32 @!p1 $0x1082;
	[sflag:s4] =	ssyncset.s32 $0xFFFFF086  }
0x25: {  	[simem:s6], [sflag:s4] =	dma.local [hbm:s3], $0xF7A  }
0x26: {  	[smem:$0x3F9D] =	sst s1;
	(tag) =	ssettag s2;
	_ =	strace s9  }
0x27: {  	s1 =	sld [smem:$0x3FAD]  }
0x28: {  	s2 =	sld [smem:$0x3FAE]  }
0x29: {  	s4 =	sld [smem:$0x3FB0]  }
0x2a: {  	p0 =	seq.s32 s5, $0x0;
	s5 =	sld [smem:$0x3FB1]  }
0x2b: {  	s6 =	sld [smem:$0x3FB2]  }
0x2c: {  	s7 =	sld [smem:$0x3FB3]  }
0x2d: {  	s3 =	simm.s32 $0x108;
	s8 =	sld [smem:$0x3FB4]  }
0x2e: {  	s3 =	simm.s32 @!p0 $0x1082;
	s9 =	sld [smem:$0x3FB5]  }
0x2f: {  	lr =	sadd.s32 s0, s3;
	s0 =	sld [smem:$0x3FAC]  }
0x30: {  	s3 =	sld [smem:$0x3FAF]  }
0x31: {  	[smem:$0x3FB8] =	sst s10  }
0x32: {  	s10 =	sld [smem:$0x3FB6];
	_ =	sdelay $0x3  }
0x33: {  	p0 =	seq.s32 s10, $0x1;
	s10 =	sld [smem:$0x3FB8];
	_ =	sdelay $0x3  }
0x34: {  	[smem:$0x3FB8] =	sst s10  }
0x35: {  	s10 =	sld [smem:$0x3FB7];
	_ =	sdelay $0x3  }
0x36: {  	p1 =	seq.s32 s10, $0x1;
	s10 =	sld [smem:$0x3FB8];
	_ =	sdelay $0x3  }
0x37: {  	[smem:$0x3FB8] =	sst s10  }
0x38: {  	s10 =	sld [smem:$0x3FB9]  }
0x39: {  	_ = 	snop;
	(pc) =	sbr.ind lr, $3  }
0x3a: {  	_ = 	snop  }
0x3b: {  	_ = 	snop  }
0x3c: {  	p2 =	seq.s32 s10, $0x1;
	s10 =	sld [smem:$0x3FB8]  }
0x3d: {  	_ =	shalt  }
0x3e: {  	_ =	shalt  }
0x3f: {  	_ =	shalt  }
0x40: {  	_ =	shalt  }
0x41: {  	_ =	shalt  }
0x42: {  	_ =	shalt  }
0x43: {  	_ =	shalt  }
0x44: {  	_ =	shalt  }
0x45: {  	_ =	shalt  }
0x46: {  	_ =	shalt  }
0x47: {  	_ =	shalt  }
0x48: {  	_ =	shalt  }
0x49: {  	_ =	shalt  }
0x4a: {  	_ =	shalt  }
0x4b: {  	_ =	shalt  }
0x4c: {  	_ =	shalt  }
0x4d: {  	_ =	shalt  }
0x4e: {  	_ =	shalt  }
0x4f: {  	_ =	shalt  }
0x50: {  	_ =	shalt  }
0x51: {  	_ =	shalt  }
0x52: {  	_ =	shalt  }
0x53: {  	_ =	shalt  }
0x54: {  	_ =	shalt  }
0x55: {  	_ =	shalt  }
0x56: {  	_ =	shalt  }
0x57: {  	_ =	shalt  }
0x58: {  	_ =	shalt  }
0x59: {  	_ =	shalt  }
0x5a: {  	_ =	shalt  }
0x5b: {  	_ =	shalt  }
0x5c: {  	_ =	shalt  }
0x5d: {  	_ =	shalt  }
0x5e: {  	_ =	shalt  }
0x5f: {  	_ =	shalt  }
0x60: {  	_ =	shalt  }
0x61: {  	_ =	shalt  }
0x62: {  	_ =	shalt  }
0x63: {  	_ =	shalt  }
0x64: {  	_ =	shalt  }
0x65: {  	_ =	shalt  }
0x66: {  	_ =	shalt  }
0x67: {  	_ =	shalt  }
0x68: {  	_ =	shalt  }
0x69: {  	_ =	shalt  }
0x6a: {  	_ =	shalt  }
0x6b: {  	_ =	shalt  }
0x6c: {  	_ =	shalt  }
0x6d: {  	_ =	shalt  }
0x6e: {  	_ =	shalt  }
0x6f: {  	_ =	shalt  }
0x70: {  	_ =	shalt  }
0x71: {  	_ =	shalt  }
0x72: {  	_ =	shalt  }
0x73: {  	_ =	shalt  }
0x74: {  	_ =	shalt  }
0x75: {  	_ =	shalt  }
0x76: {  	_ =	shalt  }
0x77: {  	_ =	shalt  }
0x78: {  	_ =	shalt  }
0x79: {  	_ =	shalt  }
0x7a: {  	_ =	shalt  }
0x7b: {  	_ =	shalt  }
0x7c: {  	_ =	shalt  }
0x7d: {  	_ =	shalt  }
0x7e: {  	_ =	shalt  }
0x7f: {  	_ =	shalt  }
0x80: {  	_ =	shalt  }
0x81: {  	_ =	shalt  }
0x82: {  	_ =	shalt  }
0x83: {  	_ =	shalt  }
0x84: {  	_ =	shalt  }
0x85: {  	_ =	shalt  }
0x86: {  	_ =	shalt  }
0x87: {  	_ =	shalt  }
.Lfunc_end0:
.L_simem_size_0:
called_computation_lowered:
.L_overlay_start_0:
0x88: {  	s2 =	sld [smem:$0x3FD9]  }
0x89: {  	s3 =	sld [smem:$0x3FFE];
	_ =	sdelay $0x1  }
0x8a: {  	s1 =	srdreg.scid  }
0x8b: {  	s0 =	sand.u32 $0x1, s1  }
0x8c: {  	s16 =	sshll.u32 s0, $0xA;
	s2 =	sadd.s32 s3, s2  }
0x8d: {  	s2 =	sadd.s32 s2, s16  }
0x8e: {  	[smem:$0x3FC4] =	sst s2  }
0x8f: {  	_ = 	snop  }
0x90: {  	(tm) =	ssettm $0x1  }
0x91: {  	s17 =	sld [smem:$0x3FFB];
	_ =	sdelay $0x3  }
0x92: {  	_ =	strace s17  }
0x93: {  	s2 =	sld [smem:$0x3FFC];
	_ =	sdelay $0x3  }
0x94: {  	_ =	strace s2  }
0x95: {  	s2 =	sld [smem:$0x3FFD];
	_ =	sdelay $0x3  }
0x96: {  	_ =	strace s2  }
0x97: {  	_ =	strace $0x8FFFFFFF  }
0x98: {  	s18 =	sld [smem:$0x3FDB];
	_ =	sdelay $0x1  }
0x99: {  	s19 =	simm.s32 $_scs_section_size  }
0x9a: {  	s4 =	simm.s32 $_size__tile_overlayer_lowered;
	s5 =	simm.s32 $_tile_overlayer_lowered  }
0x9b: {  	s22 =	simm.s32 $0x1BFF;
	s21 =	sshll.u32 s5, $0x1;
	s2 =	sadd.s32 s19, s18  }
0x9c: {  	s6 =	simm.s32 $0x0;
	s20 =	sshll.u32 s4, $0x1;
	s4 =	sadd.s32 s21, s2  }
0x9d: {  	[timem:s6], [sflag:s22] =	dma.local [hbm:s4], s20  }
0x9e: {  	_ =	swait.ge [sflag:s22], s20  }
0x9f: {  	s3 =	ssub.s32 $0x0, s20;
	[sflag:s22] =	ssyncset.done $0x0  }
0xa0: {  	[sflag:s22] =	ssyncadd.s32 s3;
	_ =	sdelay $0x1  }
0xa1: {  	s23 =	simm.s32 $0x1B8B  }
0xa2: {  	_ =	swait.ge [sflag:s23], $0x1  }
0xa3: {  	[sflag:s23] =	ssyncset.done $0x0  }
0xa4: {  	s25 =	simm.s32 $0x1B8E;
	s24 =	sld [smem:$0x3FFE];
	[sflag:s23] =	ssyncadd.s32 $0xFFFFFFFF  }
0xa5: {  	s26 =	simm.s32 $execute0_lowered;
	[smem:$0x3FD2] =	sst s25  }
0xa6: {  	s4 =	sshll.u32 s26, $0x1;
	_ =	strace $0x80000046;
	[dreg:$0x1] =	wrdreg $0xFFFFFFFF  }
0xa7: {  	s28 =	simm.s32 $_size_execute0_lowered;
	s2 =	sadd.s32 s2, s4;
	[dreg:$0x0] =	wrdreg $0x0  }
0xa8: {  	s4 =	sshll.u32 s28, $0x1;
	[dreg:$0x2] =	wrdreg s2  }
0xa9: {  	[dreg:$0x3] =	wrdreg s4  }
0xaa: {  	[dreg:$0x4] =	wrdreg $0xC0  }
0xab: {  	_ =	task [dreg:s6], $0x5FFFF  }
0xac: {  	[dreg:$0x1] =	wrdreg $0xFFFFFFFF  }
0xad: {  	[dreg:$0x0] =	wrdreg $0x60  }
0xae: {  	[dreg:$0x2] =	wrdreg s24  }
0xaf: {  	[dreg:$0x3] =	wrdreg $0x28800  }
0xb0: {  	[dreg:$0x4] =	wrdreg $0x9  }
0xb1: {  	_ =	task.clear_ibuf [dreg:s6], $0x5FFFF;
	_ =	strace $0x90000046  }
0xb2: {  	s29 =	simm.s32 $0x9;
	_ =	strace $0x80000048  }
0xb3: {  	_ =	swait.ge [sflag:s29], $0x1  }
0xb4: {  	[sflag:s29] =	ssyncadd.s32 $0xFFFFFFFF  }
0xb5: {  	_ =	strace $0x90000048  }
0xb6: {  	_ =	sfence  }
0xb7: {  	s30 =	sld [smem:$0x0];
	_ =	sdelay $0x2  }
0xb8: {  	s31 =	sshll.u32 s1, $0xD;
	s1 =	sshrl.u32 s1, $0x2  }
0xb9: {  	s3 =	sand.u32 $0x4000, s31;
	s1 =	sadd.s32 s1, s30  }
0xba: {  	s0 =	sor.u32 s3, s0;
	s1 =	sshll.u32 s1, $0x11  }
0xbb: {  	s0 =	sor.u32 s1, s0  }
0xbc: {  	s0 =	sadd.s32 $0x8F2B, s0  }
0xbd: {  	[sflag:s0] =	ssyncadd.remote.s32 $0x1  }
0xbe: {  	_ =	sfence.sel $0xFFFF  }
0xbf: {  	[dreg:$0x0] =	wrdreg $0xFFFFFFFF;
	(pc) =	sbr.abs _section_cstart, $3  }
0xc0: {  	[dreg:$0x1] =	wrdreg $0xFFFFFFFF  }
0xc1: {  	_ =	task.clear_ibuf [dreg:s6], $0x2FFFF;
	_ =	strace $0x9FFFFFFF  }
0xc2: {  	(tm) =	ssettm $0x7FFFFFFF  }
0xc3: {  	_ =	shalt  }
tec
execute0_lowered:
.L_overlay_start_1:
0x0: {  	(tag) =	ssettag $0x1  }
0x1: {  	s5 =	rddreg [dreg:$0x0]  }
0x2: {  	s2 =	rddreg [dreg:$0x1]  }
0x3: {  	s0 =	srdreg.scid;
	s1 =	rddreg [dreg:$0x2];
	s3 =	simm.s32 $0x0  }
0x4: {  	s11 =	simm.s32 $0x80;
	s12 =	simm.s32 $0x2800;
	s4 =	sand.u32 $0x1, s0  }
0x5: {  	s13 =	simm.s32 $0x20;
	s0 =	stileid.u32;
	s6 =	smul.u32 $0x28000, s4  }
0x6: {  	s14 =	simm.s32 $0x10;
	s15 =	simm.s32 $0x0;
	s7 =	smul.u32 $0x2800, s0  }
0x7: {  	[smem:$0x7FF] =	sst s3;
	s26 =	smul.u32 $0x500, s0;
	s8 =	sshll.u32 s4, $0x7  }
0x8: {  	_ =	strace $0x80000047;
	s28 =	ssub.s32 $0x2, s4;
	s9 =	smul.u32 $0xA00, s0  }
0x9: {  	s4 =	sadd.s32 $0xB400, s5;
	s31 =	sshll.u32 s0, $0x6;
	s29 =	sshrl.u32 s28, $0x1  }
0xa: {  	s6 =	sadd.s32 s7, s6;
	s7 =	sor.u32 s8, s26;
	s8 =	ssub.s32 s28, s29  }
0xb: {  	s30 =	sshrl.u32 s9, $0x2;
	s9 =	sor.u32 $0x1C01, s31;
	s6 =	sshrl.u32 s6, $0x3  }
0xc: {  	s7 =	sshrl.u32 s7, $0x3;
	s10 =	sadd.s32 s30, s2;
	s6 =	sadd.s32 s6, s5  }
0xd: {  	s7 =	sadd.s32 s7, s5;
	s10 =	sshrl.u32 s10, $0x3;
	s5 =	sadd.s32 $0x1400, s6  }
0xe: {  	v0 =	vimm.f32 $1.000000000e+00;
	s6 =	sadd.s32 $0xB600, s7;
	s7 =	smax.u32 s8, $0x1;
	s8 =	simm.s32 $0x1  }
.LBB2_1:
0xf: {  	[tilespmem:$0x2800] =	vst v0  }
0x10: {  	[tilespmem:$0x2810] =	vst v0  }
0x11: {  	[tilespmem:$0x2820] =	vst v0  }
0x12: {  	[tilespmem:$0x2830] =	vst v0  }
0x13: {  	[tilespmem:$0x2840] =	vst v0  }
0x14: {  	[tilespmem:$0x2850] =	vst v0  }
0x15: {  	[tilespmem:$0x2860] =	vst v0  }
0x16: {  	[tilespmem:$0x2870] =	vst v0  }
0x17: {  	[tilespmem:s3], [sflag:$0x1] =	stream.linear.gather [hbm4b:s5+s3], $0x2800, $0x38;
	[tilespmem:$0x2B00] =	vst v63  }
0x18: {  	_ =	swait.ge [sflag:s8], $0x2800  }
0x19: {  	[sflag:s8] =	ssyncset.done $0x0  }
0x1a: {  	[sflag:s8] =	ssyncadd.s32 $0xFFFFD800  }
0x1b: {  	[spmem:s10], [sflag:s9] =	dma.local [hbm:s4], $0x50  }
0x1c: {  	_ =	swait.ge [sflag:s8], $0x50  }
0x1d: {  	[sflag:s8] =	ssyncset.done $0x0  }
0x1e: {  	[sflag:s8] =	ssyncadd.s32 $0xFFFFFFB0  }
0x1f: {  	s16 =	simm.s32 $0x0;
	[bflag:$0x0] =	sbarrier.arrive $0xFFFF  }
0x20: {  	[spmem:s2] =	stream.indirect.scatter.add.f32 [tilespmem:s12], [sflag:$0x1], $0x1, s16, s11, $0xb8;
	[tilespmem:$0x2B00] =	vst v63  }
0x21: {  	_ =	swait.ge [sflag:s8], $0x80  }
0x22: {  	s16 =	simm.s32 $0x200;
	[sflag:s8] =	ssyncset.done $0x0  }
.LBB2_2:
0x23: {  	s17 =	sshra.s32 s16, $0x2;
	[sflag:s8] =	ssyncadd.s32 $0xFFFFFF80;
	p0 =	sne.s32 s16, $0x9E00  }
0x24: {  	[spmem:s2] =	stream.indirect.scatter.add.f32 [tilespmem:s12], [sflag:$0x1], $0x1, s17, s11, $0xb8;
	[tilespmem:$0x2B00] =	vst v63  }
.Ltmp0:
0x25: {  	_ = 	snop;
	(pc) =	sbr.rel @p0 .LBB2_2-.Ltmp0, $4  }
0x26: {  	_ = 	snop  }
0x27: {  	s16 =	sadd.s32 $0x200, s16  }
0x28: {  	_ =	swait.ge [sflag:s8], $0x80  }
0x29: {  	[sflag:s8] =	ssyncset.done $0x0  }
0x2a: {  	s15 =	sadd.s32 $0x1, s15  }
0x2b: {  	[sflag:s8] =	ssyncadd.s32 $0xFFFFFF80;
	p0 =	sne.s32 s15, s7  }
.Ltmp1:
0x2c: {  	[bflag:$0x0] =	sbarrier.arrive $0xFFFF;
	(pc) =	sbr.rel @p0 .LBB2_1-.Ltmp1, $4  }
0x2d: {  	[hbm:s6@s13], [sflag:s9] =	dma.strided [spmem:s10@s14], $0x50, s8, $0x10   }
0x2e: {  	_ =	swait.ge [sflag:s8], $0x50  }
0x2f: {  	[sflag:s8] =	ssyncset.done $0x0  }
0x30: {  	[sflag:s8] =	ssyncadd.s32 $0xFFFFFFB0  }
0x31: {  	_ =	sfence.sel $0x180000  }
0x32: {  	[bflag:$0x0] =	sbarrier.arrive $0xFFFF  }
0x33: {  	p0 =	sne.s32 s0, $0x0;
	_ =	strace $0x90000047  }
0x34: {  	s0 =	sadd.s32 @!p0 $0x100000, s1;
	[bflag:$0x2] =	sbarrier.arrive $0xFFFF  }
0x35: {  	[sflag:s0] =	ssyncadd.tile.s32 @!p0 $0x1;
	_ =	shalt  }
.Lfunc_end2:
_tile_overlayer_lowered:
.L_overlay_start_2:
0x36: {  	(tag) =	ssettag $0x2  }
0x37: {  	s0 =	rddreg [dreg:$0x0];
	s2 =	stileid.u32  }
0x38: {  	s1 =	rddreg [dreg:$0x1];
	p0 =	sne.s32 s2, $0x0  }
0x39: {  	s3 =	rddreg [dreg:$0x2];
	[bflag:$0x3] =	sbarrier.arrive $0xFFFF;
	s2 =	simm.s32 @!p0 $0x1C01  }
0x3a: {  	[timem:s3], [sflag:s2] =	dma.local @!p0 [hbm:s0], s1  }
0x3b: {  	s0 =	simm.s32 @!p0 $0x1  }
0x3c: {  	_ =	swait.ge @!p0 [sflag:s0], s1  }
0x3d: {  	s1 =	ssub.s32 @!p0 $0x0, s1;
	[sflag:s0] =	ssyncset.done @!p0 $0x0  }
0x3e: {  	[sflag:s0] =	ssyncadd.s32 @!p0 s1  }
0x3f: {  	[bflag:$0x3] =	sbarrier.arrive $0xFFFF  }
0x40: {  	_ =	shalt  }

</sc_bundles>
